<compile_context>
chip_gen: v7x
topology: tpu7x:2x2x1
jax: 0.10.2.dev20260603
libtpu: 0.0.44.dev20260713+nightly
codegen_flags: <defaults>
</compile_context>

<pallas_src>
import functools

import jax
import jax.numpy as jnp
import numpy as np
from jax import lax
from jax.experimental import pallas as pl
from jax.experimental.pallas import tpu as pltpu
from jax.experimental.pallas import tpu_sc as plsc

_B = 16384
_DU = 64
_UV = 1000000
_SMALL_DIMS = (8, 16, 8, 8, 16, 8, 8, 8)
_SMALL_VOCAB = (4, 1000, 100, 10, 1000, 100, 10, 10)
_SP = 128
_H = 256
_DM = 128

_FLAT_OFF = tuple(int(o) for o in np.cumsum(
    [0] + [v * d for v, d in zip(_SMALL_VOCAB, _SMALL_DIMS)]))
_FLAT_LEN = _FLAT_OFF[-1]

_info = plsc.get_sparse_core_info()
_NC, _NS = _info.num_cores, _info.num_subcores
_NW = _NC * _NS
_BPW = _B // _NW
_GRP = _BPW // 16

_sc_mesh = plsc.VectorSubcoreMesh(core_axis_name="c", subcore_axis_name="s")


@functools.partial(
    pl.kernel,
    mesh=_sc_mesh,
    out_type=jax.ShapeDtypeStruct((_B, _SP), jnp.float32),
    scratch_types=(
        [pltpu.VMEM((_BPW,), jnp.int32) for _ in range(8)]
        + [
            pltpu.VMEM((_FLAT_LEN,), jnp.float32),
            pltpu.VMEM((_BPW, _SP), jnp.float32),
        ]
    ),
    compiler_params=pltpu.CompilerParams(needs_layout_passes=False),
)
def _sc_smalls(*refs):
    idx_hbm = refs[0:8]
    small_flat = refs[8]
    small_out = refs[9]
    idx_v = refs[10:18]
    tbl_v = refs[18]
    small_v = refs[19]

    wid = lax.axis_index("s") * _NC + lax.axis_index("c")
    base = wid * _BPW

    pltpu.sync_copy(small_flat, tbl_v)
    for i in range(8):
        pltpu.sync_copy(idx_hbm[i].at[pl.ds(base, _BPW)], idx_v[i])

    lane = lax.iota(jnp.int32, 16)

    def body(g, carry):
        rows = g * 16 + lane
        for t in range(8):
            d = _SMALL_DIMS[t]
            fo = _FLAT_OFF[t]
            idx16 = idx_v[t][pl.ds(g * 16, 16)]
            addr = idx16 * d + fo
            for j in range(d):
                vals = plsc.load_gather(tbl_v, [addr + j])
                plsc.store_scatter(
                    small_v,
                    [rows, jnp.full((16,), 16 * t + j, jnp.int32)],
                    vals,
                )
        return carry

    lax.fori_loop(0, _GRP, body, 0)

    pltpu.sync_copy(small_v, small_out.at[pl.ds(base, _BPW)])


@functools.partial(
    pl.kernel,
    mesh=_sc_mesh,
    out_type=jax.ShapeDtypeStruct((_B, _DU), jnp.float32),
    scratch_types=(
        pltpu.VMEM((_BPW,), jnp.int32),
        pltpu.SemaphoreType.DMA,
    ),
    compiler_params=pltpu.CompilerParams(needs_layout_passes=False),
)
def _sc_user(idx_hbm, user_tbl, user_out, uidx_v, usem):
    wid = lax.axis_index("s") * _NC + lax.axis_index("c")
    base = wid * _BPW

    pltpu.sync_copy(idx_hbm.at[pl.ds(base, _BPW)], uidx_v)

    @plsc.parallel_loop(0, _GRP)
    def body(g):
        uidx16 = uidx_v[pl.ds(g * 16, 16)]
        for j in range(16):
            s = uidx16[j]
            pltpu.async_copy(
                user_tbl.at[pl.ds(s, 1)],
                user_out.at[pl.ds(base + g * 16 + j, 1)],
                usem,
            )

    pltpu.make_async_copy(
        user_tbl.at[pl.ds(0, _BPW)],
        user_out.at[pl.ds(base, _BPW)],
        usem,
    ).wait()


_BM = 1024


def _ffn_body(xu_ref, xs_ref, w1u_ref, w1s_ref, b1_ref, w2_ref, b2_ref,
              o_ref):
    acc = (
        jnp.dot(xu_ref[...], w1u_ref[...], preferred_element_type=jnp.float32)
        + jnp.dot(xs_ref[...], w1s_ref[...],
                  preferred_element_type=jnp.float32)
        + b1_ref[...]
    )
    h = jnp.maximum(acc, 0.0)
    o_ref[...] = (
        jnp.dot(h, w2_ref[...], preferred_element_type=jnp.float32)
        + b2_ref[...]
    )


_ffn = pl.pallas_call(
    _ffn_body,
    grid=(_B // _BM,),
    in_specs=[
        pl.BlockSpec((_BM, _DU), lambda i: (i, 0)),
        pl.BlockSpec((_BM, _SP), lambda i: (i, 0)),
        pl.BlockSpec((_DU, _H), lambda i: (0, 0)),
        pl.BlockSpec((_SP, _H), lambda i: (0, 0)),
        pl.BlockSpec((1, _H), lambda i: (0, 0)),
        pl.BlockSpec((_H, _DM), lambda i: (0, 0)),
        pl.BlockSpec((1, _DM), lambda i: (0, 0)),
    ],
    out_specs=pl.BlockSpec((_BM, _DM), lambda i: (i, 0)),
    out_shape=jax.ShapeDtypeStruct((_B, _DM), jnp.float32),
)

_PACK_ROWS = np.concatenate(
    [16 * t + np.arange(d) for t, d in enumerate(_SMALL_DIMS)])


def kernel(useruin, gender, region_code, language, platform, device, age,
           grade, city_level, user_table, gender_table, region_table,
           language_table, platform_table, device_table, age_table,
           grade_table, city_level_table, W1, b1, W2, b2):
    idxs = [
        x.astype(jnp.int32)
        for x in (useruin, gender, region_code, language, platform, device,
                  age, grade, city_level)
    ]
    small_flat = jnp.concatenate([
        t.reshape(-1)
        for t in (gender_table, region_table, language_table, platform_table,
                  device_table, age_table, grade_table, city_level_table)
    ])
    small_emb = _sc_smalls(*idxs[1:], small_flat)
    user_emb = _sc_user(idxs[0], user_table)

    w1s = jnp.zeros((_SP, _H), jnp.float32).at[_PACK_ROWS].set(W1[_DU:])
    return _ffn(user_emb, small_emb, W1[:_DU], w1s,
                b1.reshape(1, _H), W2, b2.reshape(1, _DM))

# --- scband reference (transcript-rebuilt; emitter-appended) ---
"""Pipeline reference for scband-basic-info-encoder-89361089560712 (READ-ONLY COPY).

The authoritative reference and input builder live on the scoring server;
editing this copy changes nothing except your own understanding.
"""

import jax, jax.numpy as jnp
import numpy as np

B = 16384
SIZES = {
    'user': (1000000, 64),
    'gender': (4, 8),
    'region': (1000, 16),
    'language': (100, 8),
    'platform': (10, 8),
    'device': (1000, 16),
    'age': (100, 8),
    'grade': (10, 8),
    'city_level': (10, 8),
}
D_MODEL = 128
CONCAT_DIM = sum(d for _, d in SIZES.values())  # 136


def setup_inputs(seed: int = 0) -> dict:
    key = jax.random.key(seed)
    ks = jax.random.split(key, 32)
    inp = {}
    # index tensors (forward args)
    idx_specs = [
        ('useruin', SIZES['user'][0]),
        ('gender', SIZES['gender'][0]),
        ('region_code', SIZES['region'][0]),
        ('language', SIZES['language'][0]),
        ('platform', SIZES['platform'][0]),
        ('device', SIZES['device'][0]),
        ('age', SIZES['age'][0]),
        ('grade', SIZES['grade'][0]),
        ('city_level', SIZES['city_level'][0]),
    ]
    for i, (name, vocab) in enumerate(idx_specs):
        inp[name] = jax.random.randint(ks[i], (B,), 0, vocab, dtype=jnp.int64 if jax.config.jax_enable_x64 else jnp.int32)
    # embedding tables (parameters)
    tbl_names = ['user', 'gender', 'region', 'language', 'platform', 'device', 'age', 'grade', 'city_level']
    for j, tn in enumerate(tbl_names):
        v, d = SIZES[tn]
        inp[tn + '_table'] = jax.random.normal(ks[10 + j], (v, d), dtype=jnp.float32) * 0.02
    # FFN params: Dense(2*d_model, relu) -> Dense(d_model)
    inp['W1'] = jax.random.normal(ks[20], (CONCAT_DIM, 2 * D_MODEL), dtype=jnp.float32) * 0.05
    inp['b1'] = jnp.zeros((2 * D_MODEL,), dtype=jnp.float32)
    inp['W2'] = jax.random.normal(ks[21], (2 * D_MODEL, D_MODEL), dtype=jnp.float32) * 0.05
    inp['b2'] = jnp.zeros((D_MODEL,), dtype=jnp.float32)
    return inp


def reference(useruin, gender, region_code, language, platform, device, age, grade, city_level,
              user_table, gender_table, region_table, language_table, platform_table,
              device_table, age_table, grade_table, city_level_table,
              W1, b1, W2, b2):
    user_emb = jnp.take(user_table, useruin, axis=0)
    gender_emb = jnp.take(gender_table, gender, axis=0)
    region_emb = jnp.take(region_table, region_code, axis=0)
    language_emb = jnp.take(language_table, language, axis=0)
    platform_emb = jnp.take(platform_table, platform, axis=0)
    device_emb = jnp.take(device_table, device, axis=0)
    age_emb = jnp.take(age_table, age, axis=0)
    grade_emb = jnp.take(grade_table, grade, axis=0)
    city_level_emb = jnp.take(city_level_table, city_level, axis=0)
    basic_dense = jnp.concatenate([user_emb, gender_emb, region_emb, language_emb,
                                   platform_emb, device_emb, age_emb, grade_emb,
                                   city_level_emb], axis=-1)
    h = jax.nn.relu(basic_dense @ W1 + b1)
    basic_emb = h @ W2 + b2
    return jnp.squeeze(basic_emb)

if __name__ == "__main__":
    import jax
    _d = setup_inputs()
    print(jax.jit(kernel)(*tuple(_d.values())))

</pallas_src>

<mosaic_0001>
#map = affine_map<(d0, d1) -> (0)>
#map1 = affine_map<(d0, d1) -> (0, 0)>
module attributes {stable_mosaic.version = 14 : i64} {
  func.func @_sc_smalls(%arg0: i32, %arg1: i32, %arg2: memref<16384xi32, #tpu.memory_space<hbm>>, %arg3: memref<16384xi32, #tpu.memory_space<hbm>>, %arg4: memref<16384xi32, #tpu.memory_space<hbm>>, %arg5: memref<16384xi32, #tpu.memory_space<hbm>>, %arg6: memref<16384xi32, #tpu.memory_space<hbm>>, %arg7: memref<16384xi32, #tpu.memory_space<hbm>>, %arg8: memref<16384xi32, #tpu.memory_space<hbm>>, %arg9: memref<16384xi32, #tpu.memory_space<hbm>>, %arg10: memref<33872xf32, #tpu.memory_space<hbm>>, %arg11: memref<16384x128xf32, #tpu.memory_space<hbm>>, %arg12: memref<512xi32, #tpu.memory_space<vmem>>, %arg13: memref<512xi32, #tpu.memory_space<vmem>>, %arg14: memref<512xi32, #tpu.memory_space<vmem>>, %arg15: memref<512xi32, #tpu.memory_space<vmem>>, %arg16: memref<512xi32, #tpu.memory_space<vmem>>, %arg17: memref<512xi32, #tpu.memory_space<vmem>>, %arg18: memref<512xi32, #tpu.memory_space<vmem>>, %arg19: memref<512xi32, #tpu.memory_space<vmem>>, %arg20: memref<33872xf32, #tpu.memory_space<vmem>>, %arg21: memref<512x128xf32, #tpu.memory_space<vmem>>) attributes {dimension_semantics = [#tpu.dimension_semantics<core_parallel>, #tpu.dimension_semantics<subcore_parallel>], iteration_bounds = array<i64: 2, 16>, scalar_prefetch = 0 : i64, scratch_operands = 10 : i64, tpu.core_type = #tpu.core_type<sc_vector_subcore>, window_params = [{transform_indices = #map}, {transform_indices = #map}, {transform_indices = #map}, {transform_indices = #map}, {transform_indices = #map}, {transform_indices = #map}, {transform_indices = #map}, {transform_indices = #map}, {transform_indices = #map}, {transform_indices = #map1}]} {
    %mul3A = arith.constant 2 : i32
    %mul3A_0 = arith.muli %arg1, %mul3A : i32
    %add3A = arith.addi %mul3A_0, %arg0 : i32
    %mul3A_1 = arith.constant 512 : i32
    %mul3A_2 = arith.muli %add3A, %mul3A_1 : i32
    "tpu.region"() ({
      %run_scoped3A = tpu.sem_alloc : memref<!tpu.dma_semaphore, #tpu.memory_space<semaphore_mem>>
      tpu.enqueue_dma source(%arg10 : memref<33872xf32, #tpu.memory_space<hbm>>) target(%arg20 : memref<33872xf32, #tpu.memory_space<vmem>>) target_semaphore(%run_scoped3A : memref<!tpu.dma_semaphore, #tpu.memory_space<semaphore_mem>>)
      tpu.wait_dma2 semaphore(%run_scoped3A : memref<!tpu.dma_semaphore, #tpu.memory_space<semaphore_mem>>) src(%arg10 : memref<33872xf32, #tpu.memory_space<hbm>>) dst(%arg20 : memref<33872xf32, #tpu.memory_space<vmem>>)
      tpu.yield
    }) : () -> ()
    "tpu.region"() ({
      %run_scoped3A = tpu.sem_alloc : memref<!tpu.dma_semaphore, #tpu.memory_space<semaphore_mem>>
      %dma_start3A = tpu.memref_slice %arg2[%mul3A_2] : memref<16384xi32, #tpu.memory_space<hbm>> -> memref<512xi32, #tpu.memory_space<hbm>>
      %dma_start3A_8 = tpu.memref_slice %arg2[%mul3A_2] : memref<16384xi32, #tpu.memory_space<hbm>> -> memref<512xi32, #tpu.memory_space<hbm>>
      tpu.enqueue_dma source(%dma_start3A_8 : memref<512xi32, #tpu.memory_space<hbm>>) target(%arg12 : memref<512xi32, #tpu.memory_space<vmem>>) target_semaphore(%run_scoped3A : memref<!tpu.dma_semaphore, #tpu.memory_space<semaphore_mem>>)
      %dma_wait3A = tpu.memref_slice %arg2[%mul3A_2] : memref<16384xi32, #tpu.memory_space<hbm>> -> memref<512xi32, #tpu.memory_space<hbm>>
      %dma_wait3A_9 = tpu.memref_slice %arg2[%mul3A_2] : memref<16384xi32, #tpu.memory_space<hbm>> -> memref<512xi32, #tpu.memory_space<hbm>>
      tpu.wait_dma2 semaphore(%run_scoped3A : memref<!tpu.dma_semaphore, #tpu.memory_space<semaphore_mem>>) src(%dma_wait3A_9 : memref<512xi32, #tpu.memory_space<hbm>>) dst(%arg12 : memref<512xi32, #tpu.memory_space<vmem>>)
      tpu.yield
    }) : () -> ()
    "tpu.region"() ({
      %run_scoped3A = tpu.sem_alloc : memref<!tpu.dma_semaphore, #tpu.memory_space<semaphore_mem>>
      %dma_start3A = tpu.memref_slice %arg3[%mul3A_2] : memref<16384xi32, #tpu.memory_space<hbm>> -> memref<512xi32, #tpu.memory_space<hbm>>
      %dma_start3A_8 = tpu.memref_slice %arg3[%mul3A_2] : memref<16384xi32, #tpu.memory_space<hbm>> -> memref<512xi32, #tpu.memory_space<hbm>>
      tpu.enqueue_dma source(%dma_start3A_8 : memref<512xi32, #tpu.memory_space<hbm>>) target(%arg13 : memref<512xi32, #tpu.memory_space<vmem>>) target_semaphore(%run_scoped3A : memref<!tpu.dma_semaphore, #tpu.memory_space<semaphore_mem>>)
      %dma_wait3A = tpu.memref_slice %arg3[%mul3A_2] : memref<16384xi32, #tpu.memory_space<hbm>> -> memref<512xi32, #tpu.memory_space<hbm>>
      %dma_wait3A_9 = tpu.memref_slice %arg3[%mul3A_2] : memref<16384xi32, #tpu.memory_space<hbm>> -> memref<512xi32, #tpu.memory_space<hbm>>
      tpu.wait_dma2 semaphore(%run_scoped3A : memref<!tpu.dma_semaphore, #tpu.memory_space<semaphore_mem>>) src(%dma_wait3A_9 : memref<512xi32, #tpu.memory_space<hbm>>) dst(%arg13 : memref<512xi32, #tpu.memory_space<vmem>>)
      tpu.yield
    }) : () -> ()
    "tpu.region"() ({
      %run_scoped3A = tpu.sem_alloc : memref<!tpu.dma_semaphore, #tpu.memory_space<semaphore_mem>>
      %dma_start3A = tpu.memref_slice %arg4[%mul3A_2] : memref<16384xi32, #tpu.memory_space<hbm>> -> memref<512xi32, #tpu.memory_space<hbm>>
      %dma_start3A_8 = tpu.memref_slice %arg4[%mul3A_2] : memref<16384xi32, #tpu.memory_space<hbm>> -> memref<512xi32, #tpu.memory_space<hbm>>
      tpu.enqueue_dma source(%dma_start3A_8 : memref<512xi32, #tpu.memory_space<hbm>>) target(%arg14 : memref<512xi32, #tpu.memory_space<vmem>>) target_semaphore(%run_scoped3A : memref<!tpu.dma_semaphore, #tpu.memory_space<semaphore_mem>>)
      %dma_wait3A = tpu.memref_slice %arg4[%mul3A_2] : memref<16384xi32, #tpu.memory_space<hbm>> -> memref<512xi32, #tpu.memory_space<hbm>>
      %dma_wait3A_9 = tpu.memref_slice %arg4[%mul3A_2] : memref<16384xi32, #tpu.memory_space<hbm>> -> memref<512xi32, #tpu.memory_space<hbm>>
      tpu.wait_dma2 semaphore(%run_scoped3A : memref<!tpu.dma_semaphore, #tpu.memory_space<semaphore_mem>>) src(%dma_wait3A_9 : memref<512xi32, #tpu.memory_space<hbm>>) dst(%arg14 : memref<512xi32, #tpu.memory_space<vmem>>)
      tpu.yield
    }) : () -> ()
    "tpu.region"() ({
      %run_scoped3A = tpu.sem_alloc : memref<!tpu.dma_semaphore, #tpu.memory_space<semaphore_mem>>
      %dma_start3A = tpu.memref_slice %arg5[%mul3A_2] : memref<16384xi32, #tpu.memory_space<hbm>> -> memref<512xi32, #tpu.memory_space<hbm>>
      %dma_start3A_8 = tpu.memref_slice %arg5[%mul3A_2] : memref<16384xi32, #tpu.memory_space<hbm>> -> memref<512xi32, #tpu.memory_space<hbm>>
      tpu.enqueue_dma source(%dma_start3A_8 : memref<512xi32, #tpu.memory_space<hbm>>) target(%arg15 : memref<512xi32, #tpu.memory_space<vmem>>) target_semaphore(%run_scoped3A : memref<!tpu.dma_semaphore, #tpu.memory_space<semaphore_mem>>)
      %dma_wait3A = tpu.memref_slice %arg5[%mul3A_2] : memref<16384xi32, #tpu.memory_space<hbm>> -> memref<512xi32, #tpu.memory_space<hbm>>
      %dma_wait3A_9 = tpu.memref_slice %arg5[%mul3A_2] : memref<16384xi32, #tpu.memory_space<hbm>> -> memref<512xi32, #tpu.memory_space<hbm>>
      tpu.wait_dma2 semaphore(%run_scoped3A : memref<!tpu.dma_semaphore, #tpu.memory_space<semaphore_mem>>) src(%dma_wait3A_9 : memref<512xi32, #tpu.memory_space<hbm>>) dst(%arg15 : memref<512xi32, #tpu.memory_space<vmem>>)
      tpu.yield
    }) : () -> ()
    "tpu.region"() ({
      %run_scoped3A = tpu.sem_alloc : memref<!tpu.dma_semaphore, #tpu.memory_space<semaphore_mem>>
      %dma_start3A = tpu.memref_slice %arg6[%mul3A_2] : memref<16384xi32, #tpu.memory_space<hbm>> -> memref<512xi32, #tpu.memory_space<hbm>>
      %dma_start3A_8 = tpu.memref_slice %arg6[%mul3A_2] : memref<16384xi32, #tpu.memory_space<hbm>> -> memref<512xi32, #tpu.memory_space<hbm>>
      tpu.enqueue_dma source(%dma_start3A_8 : memref<512xi32, #tpu.memory_space<hbm>>) target(%arg16 : memref<512xi32, #tpu.memory_space<vmem>>) target_semaphore(%run_scoped3A : memref<!tpu.dma_semaphore, #tpu.memory_space<semaphore_mem>>)
      %dma_wait3A = tpu.memref_slice %arg6[%mul3A_2] : memref<16384xi32, #tpu.memory_space<hbm>> -> memref<512xi32, #tpu.memory_space<hbm>>
      %dma_wait3A_9 = tpu.memref_slice %arg6[%mul3A_2] : memref<16384xi32, #tpu.memory_space<hbm>> -> memref<512xi32, #tpu.memory_space<hbm>>
      tpu.wait_dma2 semaphore(%run_scoped3A : memref<!tpu.dma_semaphore, #tpu.memory_space<semaphore_mem>>) src(%dma_wait3A_9 : memref<512xi32, #tpu.memory_space<hbm>>) dst(%arg16 : memref<512xi32, #tpu.memory_space<vmem>>)
      tpu.yield
    }) : () -> ()
    "tpu.region"() ({
      %run_scoped3A = tpu.sem_alloc : memref<!tpu.dma_semaphore, #tpu.memory_space<semaphore_mem>>
      %dma_start3A = tpu.memref_slice %arg7[%mul3A_2] : memref<16384xi32, #tpu.memory_space<hbm>> -> memref<512xi32, #tpu.memory_space<hbm>>
      %dma_start3A_8 = tpu.memref_slice %arg7[%mul3A_2] : memref<16384xi32, #tpu.memory_space<hbm>> -> memref<512xi32, #tpu.memory_space<hbm>>
      tpu.enqueue_dma source(%dma_start3A_8 : memref<512xi32, #tpu.memory_space<hbm>>) target(%arg17 : memref<512xi32, #tpu.memory_space<vmem>>) target_semaphore(%run_scoped3A : memref<!tpu.dma_semaphore, #tpu.memory_space<semaphore_mem>>)
      %dma_wait3A = tpu.memref_slice %arg7[%mul3A_2] : memref<16384xi32, #tpu.memory_space<hbm>> -> memref<512xi32, #tpu.memory_space<hbm>>
      %dma_wait3A_9 = tpu.memref_slice %arg7[%mul3A_2] : memref<16384xi32, #tpu.memory_space<hbm>> -> memref<512xi32, #tpu.memory_space<hbm>>
      tpu.wait_dma2 semaphore(%run_scoped3A : memref<!tpu.dma_semaphore, #tpu.memory_space<semaphore_mem>>) src(%dma_wait3A_9 : memref<512xi32, #tpu.memory_space<hbm>>) dst(%arg17 : memref<512xi32, #tpu.memory_space<vmem>>)
      tpu.yield
    }) : () -> ()
    "tpu.region"() ({
      %run_scoped3A = tpu.sem_alloc : memref<!tpu.dma_semaphore, #tpu.memory_space<semaphore_mem>>
      %dma_start3A = tpu.memref_slice %arg8[%mul3A_2] : memref<16384xi32, #tpu.memory_space<hbm>> -> memref<512xi32, #tpu.memory_space<hbm>>
      %dma_start3A_8 = tpu.memref_slice %arg8[%mul3A_2] : memref<16384xi32, #tpu.memory_space<hbm>> -> memref<512xi32, #tpu.memory_space<hbm>>
      tpu.enqueue_dma source(%dma_start3A_8 : memref<512xi32, #tpu.memory_space<hbm>>) target(%arg18 : memref<512xi32, #tpu.memory_space<vmem>>) target_semaphore(%run_scoped3A : memref<!tpu.dma_semaphore, #tpu.memory_space<semaphore_mem>>)
      %dma_wait3A = tpu.memref_slice %arg8[%mul3A_2] : memref<16384xi32, #tpu.memory_space<hbm>> -> memref<512xi32, #tpu.memory_space<hbm>>
      %dma_wait3A_9 = tpu.memref_slice %arg8[%mul3A_2] : memref<16384xi32, #tpu.memory_space<hbm>> -> memref<512xi32, #tpu.memory_space<hbm>>
      tpu.wait_dma2 semaphore(%run_scoped3A : memref<!tpu.dma_semaphore, #tpu.memory_space<semaphore_mem>>) src(%dma_wait3A_9 : memref<512xi32, #tpu.memory_space<hbm>>) dst(%arg18 : memref<512xi32, #tpu.memory_space<vmem>>)
      tpu.yield
    }) : () -> ()
    "tpu.region"() ({
      %run_scoped3A = tpu.sem_alloc : memref<!tpu.dma_semaphore, #tpu.memory_space<semaphore_mem>>
      %dma_start3A = tpu.memref_slice %arg9[%mul3A_2] : memref<16384xi32, #tpu.memory_space<hbm>> -> memref<512xi32, #tpu.memory_space<hbm>>
      %dma_start3A_8 = tpu.memref_slice %arg9[%mul3A_2] : memref<16384xi32, #tpu.memory_space<hbm>> -> memref<512xi32, #tpu.memory_space<hbm>>
      tpu.enqueue_dma source(%dma_start3A_8 : memref<512xi32, #tpu.memory_space<hbm>>) target(%arg19 : memref<512xi32, #tpu.memory_space<vmem>>) target_semaphore(%run_scoped3A : memref<!tpu.dma_semaphore, #tpu.memory_space<semaphore_mem>>)
      %dma_wait3A = tpu.memref_slice %arg9[%mul3A_2] : memref<16384xi32, #tpu.memory_space<hbm>> -> memref<512xi32, #tpu.memory_space<hbm>>
      %dma_wait3A_9 = tpu.memref_slice %arg9[%mul3A_2] : memref<16384xi32, #tpu.memory_space<hbm>> -> memref<512xi32, #tpu.memory_space<hbm>>
      tpu.wait_dma2 semaphore(%run_scoped3A : memref<!tpu.dma_semaphore, #tpu.memory_space<semaphore_mem>>) src(%dma_wait3A_9 : memref<512xi32, #tpu.memory_space<hbm>>) dst(%arg19 : memref<512xi32, #tpu.memory_space<vmem>>)
      tpu.yield
    }) : () -> ()
    %iota3A = tpu.iota {dimensions = array<i32: 0>} : vector<16xi32>
    %scan3A = arith.constant 0 : i32
    %scan3A_3 = arith.constant 0 : i32
    %scan3A_4 = arith.constant 32 : i32
    %scan3A_5 = arith.addi %scan3A_3, %scan3A_4 : i32
    %scan3A_6 = arith.constant 1 : i32
    scf.for %scan3A_8 = %scan3A_3 to %scan3A_5 step %scan3A_6  : i32 {
      %mul3A_9 = arith.constant 16 : i32
      %mul3A_10 = arith.muli %scan3A_8, %mul3A_9 : i32
      %add3A_11 = vector.broadcast %mul3A_10 : i32 to vector<16xi32>
      %add3A_12 = arith.addi %add3A_11, %iota3A : vector<16xi32>
      %mul3A_13 = arith.constant 16 : i32
      %mul3A_14 = arith.muli %scan3A_8, %mul3A_13 : i32
      %get3A = arith.index_cast %mul3A_14 : i32 to index
      %get3A_15 = tpu.vector_load %arg12[%get3A] {strides = array<i32>} : memref<512xi32, #tpu.memory_space<vmem>>, vector<16xi32>,
      %mul3A_16 = arith.constant 8 : i32
      %mul3A_17 = vector.broadcast %mul3A_16 : i32 to vector<16xi32>
      %mul3A_18 = arith.muli %get3A_15, %mul3A_17 : vector<16xi32>
      %add3A_19 = arith.constant 0 : i32
      %add3A_20 = vector.broadcast %add3A_19 : i32 to vector<16xi32>
      %add3A_21 = arith.addi %mul3A_18, %add3A_20 : vector<16xi32>
      %add3A_22 = arith.constant 0 : i32
      %add3A_23 = vector.broadcast %add3A_22 : i32 to vector<16xi32>
      %add3A_24 = arith.addi %add3A_21, %add3A_23 : vector<16xi32>
      %gather3A = tpu.vector_load_idx %arg20[%add3A_24] : memref<33872xf32, #tpu.memory_space<vmem>>[vector<16xi32>], vector<16xf32>,
      %broadcast_in_dim3A = arith.constant 0 : i32
      %broadcast_in_dim3A_25 = vector.broadcast %broadcast_in_dim3A : i32 to vector<16xi32>
      tpu.vector_store_idx %arg21[%add3A_12, %broadcast_in_dim3A_25], %gather3A : memref<512x128xf32, #tpu.memory_space<vmem>>[vector<16xi32>, vector<16xi32>], vector<16xf32>,
      %add3A_26 = arith.constant 1 : i32
      %add3A_27 = vector.broadcast %add3A_26 : i32 to vector<16xi32>
      %add3A_28 = arith.addi %add3A_21, %add3A_27 : vector<16xi32>
      %gather3A_29 = tpu.vector_load_idx %arg20[%add3A_28] : memref<33872xf32, #tpu.memory_space<vmem>>[vector<16xi32>], vector<16xf32>,
      %broadcast_in_dim3A_30 = arith.constant 1 : i32
      %broadcast_in_dim3A_31 = vector.broadcast %broadcast_in_dim3A_30 : i32 to vector<16xi32>
      tpu.vector_store_idx %arg21[%add3A_12, %broadcast_in_dim3A_31], %gather3A_29 : memref<512x128xf32, #tpu.memory_space<vmem>>[vector<16xi32>, vector<16xi32>], vector<16xf32>,
      %add3A_32 = arith.constant 2 : i32
      %add3A_33 = vector.broadcast %add3A_32 : i32 to vector<16xi32>
      %add3A_34 = arith.addi %add3A_21, %add3A_33 : vector<16xi32>
      %gather3A_35 = tpu.vector_load_idx %arg20[%add3A_34] : memref<33872xf32, #tpu.memory_space<vmem>>[vector<16xi32>], vector<16xf32>,
      %broadcast_in_dim3A_36 = arith.constant 2 : i32
      %broadcast_in_dim3A_37 = vector.broadcast %broadcast_in_dim3A_36 : i32 to vector<16xi32>
      tpu.vector_store_idx %arg21[%add3A_12, %broadcast_in_dim3A_37], %gather3A_35 : memref<512x128xf32, #tpu.memory_space<vmem>>[vector<16xi32>, vector<16xi32>], vector<16xf32>,
      %add3A_38 = arith.constant 3 : i32
      %add3A_39 = vector.broadcast %add3A_38 : i32 to vector<16xi32>
      %add3A_40 = arith.addi %add3A_21, %add3A_39 : vector<16xi32>
      %gather3A_41 = tpu.vector_load_idx %arg20[%add3A_40] : memref<33872xf32, #tpu.memory_space<vmem>>[vector<16xi32>], vector<16xf32>,
      %broadcast_in_dim3A_42 = arith.constant 3 : i32
      %broadcast_in_dim3A_43 = vector.broadcast %broadcast_in_dim3A_42 : i32 to vector<16xi32>
      tpu.vector_store_idx %arg21[%add3A_12, %broadcast_in_dim3A_43], %gather3A_41 : memref<512x128xf32, #tpu.memory_space<vmem>>[vector<16xi32>, vector<16xi32>], vector<16xf32>,
      %add3A_44 = arith.constant 4 : i32
      %add3A_45 = vector.broadcast %add3A_44 : i32 to vector<16xi32>
      %add3A_46 = arith.addi %add3A_21, %add3A_45 : vector<16xi32>
      %gather3A_47 = tpu.vector_load_idx %arg20[%add3A_46] : memref<33872xf32, #tpu.memory_space<vmem>>[vector<16xi32>], vector<16xf32>,
      %broadcast_in_dim3A_48 = arith.constant 4 : i32
      %broadcast_in_dim3A_49 = vector.broadcast %broadcast_in_dim3A_48 : i32 to vector<16xi32>
      tpu.vector_store_idx %arg21[%add3A_12, %broadcast_in_dim3A_49], %gather3A_47 : memref<512x128xf32, #tpu.memory_space<vmem>>[vector<16xi32>, vector<16xi32>], vector<16xf32>,
      %add3A_50 = arith.constant 5 : i32
      %add3A_51 = vector.broadcast %add3A_50 : i32 to vector<16xi32>
      %add3A_52 = arith.addi %add3A_21, %add3A_51 : vector<16xi32>
      %gather3A_53 = tpu.vector_load_idx %arg20[%add3A_52] : memref<33872xf32, #tpu.memory_space<vmem>>[vector<16xi32>], vector<16xf32>,
      %broadcast_in_dim3A_54 = arith.constant 5 : i32
      %broadcast_in_dim3A_55 = vector.broadcast %broadcast_in_dim3A_54 : i32 to vector<16xi32>
      tpu.vector_store_idx %arg21[%add3A_12, %broadcast_in_dim3A_55], %gather3A_53 : memref<512x128xf32, #tpu.memory_space<vmem>>[vector<16xi32>, vector<16xi32>], vector<16xf32>,
      %add3A_56 = arith.constant 6 : i32
      %add3A_57 = vector.broadcast %add3A_56 : i32 to vector<16xi32>
      %add3A_58 = arith.addi %add3A_21, %add3A_57 : vector<16xi32>
      %gather3A_59 = tpu.vector_load_idx %arg20[%add3A_58] : memref<33872xf32, #tpu.memory_space<vmem>>[vector<16xi32>], vector<16xf32>,
      %broadcast_in_dim3A_60 = arith.constant 6 : i32
      %broadcast_in_dim3A_61 = vector.broadcast %broadcast_in_dim3A_60 : i32 to vector<16xi32>
      tpu.vector_store_idx %arg21[%add3A_12, %broadcast_in_dim3A_61], %gather3A_59 : memref<512x128xf32, #tpu.memory_space<vmem>>[vector<16xi32>, vector<16xi32>], vector<16xf32>,
      %add3A_62 = arith.constant 7 : i32
      %add3A_63 = vector.broadcast %add3A_62 : i32 to vector<16xi32>
      %add3A_64 = arith.addi %add3A_21, %add3A_63 : vector<16xi32>
      %gather3A_65 = tpu.vector_load_idx %arg20[%add3A_64] : memref<33872xf32, #tpu.memory_space<vmem>>[vector<16xi32>], vector<16xf32>,
      %broadcast_in_dim3A_66 = arith.constant 7 : i32
      %broadcast_in_dim3A_67 = vector.broadcast %broadcast_in_dim3A_66 : i32 to vector<16xi32>
      tpu.vector_store_idx %arg21[%add3A_12, %broadcast_in_dim3A_67], %gather3A_65 : memref<512x128xf32, #tpu.memory_space<vmem>>[vector<16xi32>, vector<16xi32>], vector<16xf32>,
      %mul3A_68 = arith.constant 16 : i32
      %mul3A_69 = arith.muli %scan3A_8, %mul3A_68 : i32
      %get3A_70 = arith.index_cast %mul3A_69 : i32 to index
      %get3A_71 = tpu.vector_load %arg13[%get3A_70] {strides = array<i32>} : memref<512xi32, #tpu.memory_space<vmem>>, vector<16xi32>,
      %mul3A_72 = arith.constant 16 : i32
      %mul3A_73 = vector.broadcast %mul3A_72 : i32 to vector<16xi32>
      %mul3A_74 = arith.muli %get3A_71, %mul3A_73 : vector<16xi32>
      %add3A_75 = arith.constant 32 : i32
      %add3A_76 = vector.broadcast %add3A_75 : i32 to vector<16xi32>
      %add3A_77 = arith.addi %mul3A_74, %add3A_76 : vector<16xi32>
      %add3A_78 = arith.constant 0 : i32
      %add3A_79 = vector.broadcast %add3A_78 : i32 to vector<16xi32>
      %add3A_80 = arith.addi %add3A_77, %add3A_79 : vector<16xi32>
      %gather3A_81 = tpu.vector_load_idx %arg20[%add3A_80] : memref<33872xf32, #tpu.memory_space<vmem>>[vector<16xi32>], vector<16xf32>,
      %broadcast_in_dim3A_82 = arith.constant 16 : i32
      %broadcast_in_dim3A_83 = vector.broadcast %broadcast_in_dim3A_82 : i32 to vector<16xi32>
      tpu.vector_store_idx %arg21[%add3A_12, %broadcast_in_dim3A_83], %gather3A_81 : memref<512x128xf32, #tpu.memory_space<vmem>>[vector<16xi32>, vector<16xi32>], vector<16xf32>,
      %add3A_84 = arith.constant 1 : i32
      %add3A_85 = vector.broadcast %add3A_84 : i32 to vector<16xi32>
      %add3A_86 = arith.addi %add3A_77, %add3A_85 : vector<16xi32>
      %gather3A_87 = tpu.vector_load_idx %arg20[%add3A_86] : memref<33872xf32, #tpu.memory_space<vmem>>[vector<16xi32>], vector<16xf32>,
      %broadcast_in_dim3A_88 = arith.constant 17 : i32
      %broadcast_in_dim3A_89 = vector.broadcast %broadcast_in_dim3A_88 : i32 to vector<16xi32>
      tpu.vector_store_idx %arg21[%add3A_12, %broadcast_in_dim3A_89], %gather3A_87 : memref<512x128xf32, #tpu.memory_space<vmem>>[vector<16xi32>, vector<16xi32>], vector<16xf32>,
      %add3A_90 = arith.constant 2 : i32
      %add3A_91 = vector.broadcast %add3A_90 : i32 to vector<16xi32>
      %add3A_92 = arith.addi %add3A_77, %add3A_91 : vector<16xi32>
      %gather3A_93 = tpu.vector_load_idx %arg20[%add3A_92] : memref<33872xf32, #tpu.memory_space<vmem>>[vector<16xi32>], vector<16xf32>,
      %broadcast_in_dim3A_94 = arith.constant 18 : i32
      %broadcast_in_dim3A_95 = vector.broadcast %broadcast_in_dim3A_94 : i32 to vector<16xi32>
      tpu.vector_store_idx %arg21[%add3A_12, %broadcast_in_dim3A_95], %gather3A_93 : memref<512x128xf32, #tpu.memory_space<vmem>>[vector<16xi32>, vector<16xi32>], vector<16xf32>,
      %add3A_96 = arith.constant 3 : i32
      %add3A_97 = vector.broadcast %add3A_96 : i32 to vector<16xi32>
      %add3A_98 = arith.addi %add3A_77, %add3A_97 : vector<16xi32>
      %gather3A_99 = tpu.vector_load_idx %arg20[%add3A_98] : memref<33872xf32, #tpu.memory_space<vmem>>[vector<16xi32>], vector<16xf32>,
      %broadcast_in_dim3A_100 = arith.constant 19 : i32
      %broadcast_in_dim3A_101 = vector.broadcast %broadcast_in_dim3A_100 : i32 to vector<16xi32>
      tpu.vector_store_idx %arg21[%add3A_12, %broadcast_in_dim3A_101], %gather3A_99 : memref<512x128xf32, #tpu.memory_space<vmem>>[vector<16xi32>, vector<16xi32>], vector<16xf32>,
      %add3A_102 = arith.constant 4 : i32
      %add3A_103 = vector.broadcast %add3A_102 : i32 to vector<16xi32>
      %add3A_104 = arith.addi %add3A_77, %add3A_103 : vector<16xi32>
      %gather3A_105 = tpu.vector_load_idx %arg20[%add3A_104] : memref<33872xf32, #tpu.memory_space<vmem>>[vector<16xi32>], vector<16xf32>,
      %broadcast_in_dim3A_106 = arith.constant 20 : i32
      %broadcast_in_dim3A_107 = vector.broadcast %broadcast_in_dim3A_106 : i32 to vector<16xi32>
      tpu.vector_store_idx %arg21[%add3A_12, %broadcast_in_dim3A_107], %gather3A_105 : memref<512x128xf32, #tpu.memory_space<vmem>>[vector<16xi32>, vector<16xi32>], vector<16xf32>,
      %add3A_108 = arith.constant 5 : i32
      %add3A_109 = vector.broadcast %add3A_108 : i32 to vector<16xi32>
      %add3A_110 = arith.addi %add3A_77, %add3A_109 : vector<16xi32>
      %gather3A_111 = tpu.vector_load_idx %arg20[%add3A_110] : memref<33872xf32, #tpu.memory_space<vmem>>[vector<16xi32>], vector<16xf32>,
      %broadcast_in_dim3A_112 = arith.constant 21 : i32
      %broadcast_in_dim3A_113 = vector.broadcast %broadcast_in_dim3A_112 : i32 to vector<16xi32>
      tpu.vector_store_idx %arg21[%add3A_12, %broadcast_in_dim3A_113], %gather3A_111 : memref<512x128xf32, #tpu.memory_space<vmem>>[vector<16xi32>, vector<16xi32>], vector<16xf32>,
      %add3A_114 = arith.constant 6 : i32
      %add3A_115 = vector.broadcast %add3A_114 : i32 to vector<16xi32>
      %add3A_116 = arith.addi %add3A_77, %add3A_115 : vector<16xi32>
      %gather3A_117 = tpu.vector_load_idx %arg20[%add3A_116] : memref<33872xf32, #tpu.memory_space<vmem>>[vector<16xi32>], vector<16xf32>,
      %broadcast_in_dim3A_118 = arith.constant 22 : i32
      %broadcast_in_dim3A_119 = vector.broadcast %broadcast_in_dim3A_118 : i32 to vector<16xi32>
      tpu.vector_store_idx %arg21[%add3A_12, %broadcast_in_dim3A_119], %gather3A_117 : memref<512x128xf32, #tpu.memory_space<vmem>>[vector<16xi32>, vector<16xi32>], vector<16xf32>,
      %add3A_120 = arith.constant 7 : i32
      %add3A_121 = vector.broadcast %add3A_120 : i32 to vector<16xi32>
      %add3A_122 = arith.addi %add3A_77, %add3A_121 : vector<16xi32>
      %gather3A_123 = tpu.vector_load_idx %arg20[%add3A_122] : memref<33872xf32, #tpu.memory_space<vmem>>[vector<16xi32>], vector<16xf32>,
      %broadcast_in_dim3A_124 = arith.constant 23 : i32
      %broadcast_in_dim3A_125 = vector.broadcast %broadcast_in_dim3A_124 : i32 to vector<16xi32>
      tpu.vector_store_idx %arg21[%add3A_12, %broadcast_in_dim3A_125], %gather3A_123 : memref<512x128xf32, #tpu.memory_space<vmem>>[vector<16xi32>, vector<16xi32>], vector<16xf32>,
      %add3A_126 = arith.constant 8 : i32
      %add3A_127 = vector.broadcast %add3A_126 : i32 to vector<16xi32>
      %add3A_128 = arith.addi %add3A_77, %add3A_127 : vector<16xi32>
      %gather3A_129 = tpu.vector_load_idx %arg20[%add3A_128] : memref<33872xf32, #tpu.memory_space<vmem>>[vector<16xi32>], vector<16xf32>,
      %broadcast_in_dim3A_130 = arith.constant 24 : i32
      %broadcast_in_dim3A_131 = vector.broadcast %broadcast_in_dim3A_130 : i32 to vector<16xi32>
      tpu.vector_store_idx %arg21[%add3A_12, %broadcast_in_dim3A_131], %gather3A_129 : memref<512x128xf32, #tpu.memory_space<vmem>>[vector<16xi32>, vector<16xi32>], vector<16xf32>,
      %add3A_132 = arith.constant 9 : i32
      %add3A_133 = vector.broadcast %add3A_132 : i32 to vector<16xi32>
      %add3A_134 = arith.addi %add3A_77, %add3A_133 : vector<16xi32>
      %gather3A_135 = tpu.vector_load_idx %arg20[%add3A_134] : memref<33872xf32, #tpu.memory_space<vmem>>[vector<16xi32>], vector<16xf32>,
      %broadcast_in_dim3A_136 = arith.constant 25 : i32
      %broadcast_in_dim3A_137 = vector.broadcast %broadcast_in_dim3A_136 : i32 to vector<16xi32>
      tpu.vector_store_idx %arg21[%add3A_12, %broadcast_in_dim3A_137], %gather3A_135 : memref<512x128xf32, #tpu.memory_space<vmem>>[vector<16xi32>, vector<16xi32>], vector<16xf32>,
      %add3A_138 = arith.constant 10 : i32
      %add3A_139 = vector.broadcast %add3A_138 : i32 to vector<16xi32>
      %add3A_140 = arith.addi %add3A_77, %add3A_139 : vector<16xi32>
      %gather3A_141 = tpu.vector_load_idx %arg20[%add3A_140] : memref<33872xf32, #tpu.memory_space<vmem>>[vector<16xi32>], vector<16xf32>,
      %broadcast_in_dim3A_142 = arith.constant 26 : i32
      %broadcast_in_dim3A_143 = vector.broadcast %broadcast_in_dim3A_142 : i32 to vector<16xi32>
      tpu.vector_store_idx %arg21[%add3A_12, %broadcast_in_dim3A_143], %gather3A_141 : memref<512x128xf32, #tpu.memory_space<vmem>>[vector<16xi32>, vector<16xi32>], vector<16xf32>,
      %add3A_144 = arith.constant 11 : i32
      %add3A_145 = vector.broadcast %add3A_144 : i32 to vector<16xi32>
      %add3A_146 = arith.addi %add3A_77, %add3A_145 : vector<16xi32>
      %gather3A_147 = tpu.vector_load_idx %arg20[%add3A_146] : memref<33872xf32, #tpu.memory_space<vmem>>[vector<16xi32>], vector<16xf32>,
      %broadcast_in_dim3A_148 = arith.constant 27 : i32
      %broadcast_in_dim3A_149 = vector.broadcast %broadcast_in_dim3A_148 : i32 to vector<16xi32>
      tpu.vector_store_idx %arg21[%add3A_12, %broadcast_in_dim3A_149], %gather3A_147 : memref<512x128xf32, #tpu.memory_space<vmem>>[vector<16xi32>, vector<16xi32>], vector<16xf32>,
      %add3A_150 = arith.constant 12 : i32
      %add3A_151 = vector.broadcast %add3A_150 : i32 to vector<16xi32>
      %add3A_152 = arith.addi %add3A_77, %add3A_151 : vector<16xi32>
      %gather3A_153 = tpu.vector_load_idx %arg20[%add3A_152] : memref<33872xf32, #tpu.memory_space<vmem>>[vector<16xi32>], vector<16xf32>,
      %broadcast_in_dim3A_154 = arith.constant 28 : i32
      %broadcast_in_dim3A_155 = vector.broadcast %broadcast_in_dim3A_154 : i32 to vector<16xi32>
      tpu.vector_store_idx %arg21[%add3A_12, %broadcast_in_dim3A_155], %gather3A_153 : memref<512x128xf32, #tpu.memory_space<vmem>>[vector<16xi32>, vector<16xi32>], vector<16xf32>,
      %add3A_156 = arith.constant 13 : i32
      %add3A_157 = vector.broadcast %add3A_156 : i32 to vector<16xi32>
      %add3A_158 = arith.addi %add3A_77, %add3A_157 : vector<16xi32>
      %gather3A_159 = tpu.vector_load_idx %arg20[%add3A_158] : memref<33872xf32, #tpu.memory_space<vmem>>[vector<16xi32>], vector<16xf32>,
      %broadcast_in_dim3A_160 = arith.constant 29 : i32
      %broadcast_in_dim3A_161 = vector.broadcast %broadcast_in_dim3A_160 : i32 to vector<16xi32>
      tpu.vector_store_idx %arg21[%add3A_12, %broadcast_in_dim3A_161], %gather3A_159 : memref<512x128xf32, #tpu.memory_space<vmem>>[vector<16xi32>, vector<16xi32>], vector<16xf32>,
      %add3A_162 = arith.constant 14 : i32
      %add3A_163 = vector.broadcast %add3A_162 : i32 to vector<16xi32>
      %add3A_164 = arith.addi %add3A_77, %add3A_163 : vector<16xi32>
      %gather3A_165 = tpu.vector_load_idx %arg20[%add3A_164] : memref<33872xf32, #tpu.memory_space<vmem>>[vector<16xi32>], vector<16xf32>,
      %broadcast_in_dim3A_166 = arith.constant 30 : i32
      %broadcast_in_dim3A_167 = vector.broadcast %broadcast_in_dim3A_166 : i32 to vector<16xi32>
      tpu.vector_store_idx %arg21[%add3A_12, %broadcast_in_dim3A_167], %gather3A_165 : memref<512x128xf32, #tpu.memory_space<vmem>>[vector<16xi32>, vector<16xi32>], vector<16xf32>,
      %add3A_168 = arith.constant 15 : i32
      %add3A_169 = vector.broadcast %add3A_168 : i32 to vector<16xi32>
      %add3A_170 = arith.addi %add3A_77, %add3A_169 : vector<16xi32>
      %gather3A_171 = tpu.vector_load_idx %arg20[%add3A_170] : memref<33872xf32, #tpu.memory_space<vmem>>[vector<16xi32>], vector<16xf32>,
      %broadcast_in_dim3A_172 = arith.constant 31 : i32
      %broadcast_in_dim3A_173 = vector.broadcast %broadcast_in_dim3A_172 : i32 to vector<16xi32>
      tpu.vector_store_idx %arg21[%add3A_12, %broadcast_in_dim3A_173], %gather3A_171 : memref<512x128xf32, #tpu.memory_space<vmem>>[vector<16xi32>, vector<16xi32>], vector<16xf32>,
      %mul3A_174 = arith.constant 16 : i32
      %mul3A_175 = arith.muli %scan3A_8, %mul3A_174 : i32
      %get3A_176 = arith.index_cast %mul3A_175 : i32 to index
      %get3A_177 = tpu.vector_load %arg14[%get3A_176] {strides = array<i32>} : memref<512xi32, #tpu.memory_space<vmem>>, vector<16xi32>,
      %mul3A_178 = arith.constant 8 : i32
      %mul3A_179 = vector.broadcast %mul3A_178 : i32 to vector<16xi32>
      %mul3A_180 = arith.muli %get3A_177, %mul3A_179 : vector<16xi32>
      %add3A_181 = arith.constant 16032 : i32
      %add3A_182 = vector.broadcast %add3A_181 : i32 to vector<16xi32>
      %add3A_183 = arith.addi %mul3A_180, %add3A_182 : vector<16xi32>
      %add3A_184 = arith.constant 0 : i32
      %add3A_185 = vector.broadcast %add3A_184 : i32 to vector<16xi32>
      %add3A_186 = arith.addi %add3A_183, %add3A_185 : vector<16xi32>
      %gather3A_187 = tpu.vector_load_idx %arg20[%add3A_186] : memref<33872xf32, #tpu.memory_space<vmem>>[vector<16xi32>], vector<16xf32>,
      %broadcast_in_dim3A_188 = arith.constant 32 : i32
      %broadcast_in_dim3A_189 = vector.broadcast %broadcast_in_dim3A_188 : i32 to vector<16xi32>
      tpu.vector_store_idx %arg21[%add3A_12, %broadcast_in_dim3A_189], %gather3A_187 : memref<512x128xf32, #tpu.memory_space<vmem>>[vector<16xi32>, vector<16xi32>], vector<16xf32>,
      %add3A_190 = arith.constant 1 : i32
      %add3A_191 = vector.broadcast %add3A_190 : i32 to vector<16xi32>
      %add3A_192 = arith.addi %add3A_183, %add3A_191 : vector<16xi32>
      %gather3A_193 = tpu.vector_load_idx %arg20[%add3A_192] : memref<33872xf32, #tpu.memory_space<vmem>>[vector<16xi32>], vector<16xf32>,
      %broadcast_in_dim3A_194 = arith.constant 33 : i32
      %broadcast_in_dim3A_195 = vector.broadcast %broadcast_in_dim3A_194 : i32 to vector<16xi32>
      tpu.vector_store_idx %arg21[%add3A_12, %broadcast_in_dim3A_195], %gather3A_193 : memref<512x128xf32, #tpu.memory_space<vmem>>[vector<16xi32>, vector<16xi32>], vector<16xf32>,
      %add3A_196 = arith.constant 2 : i32
      %add3A_197 = vector.broadcast %add3A_196 : i32 to vector<16xi32>
      %add3A_198 = arith.addi %add3A_183, %add3A_197 : vector<16xi32>
      %gather3A_199 = tpu.vector_load_idx %arg20[%add3A_198] : memref<33872xf32, #tpu.memory_space<vmem>>[vector<16xi32>], vector<16xf32>,
      %broadcast_in_dim3A_200 = arith.constant 34 : i32
      %broadcast_in_dim3A_201 = vector.broadcast %broadcast_in_dim3A_200 : i32 to vector<16xi32>
      tpu.vector_store_idx %arg21[%add3A_12, %broadcast_in_dim3A_201], %gather3A_199 : memref<512x128xf32, #tpu.memory_space<vmem>>[vector<16xi32>, vector<16xi32>], vector<16xf32>,
      %add3A_202 = arith.constant 3 : i32
      %add3A_203 = vector.broadcast %add3A_202 : i32 to vector<16xi32>
      %add3A_204 = arith.addi %add3A_183, %add3A_203 : vector<16xi32>
      %gather3A_205 = tpu.vector_load_idx %arg20[%add3A_204] : memref<33872xf32, #tpu.memory_space<vmem>>[vector<16xi32>], vector<16xf32>,
      %broadcast_in_dim3A_206 = arith.constant 35 : i32
      %broadcast_in_dim3A_207 = vector.broadcast %broadcast_in_dim3A_206 : i32 to vector<16xi32>
      tpu.vector_store_idx %arg21[%add3A_12, %broadcast_in_dim3A_207], %gather3A_205 : memref<512x128xf32, #tpu.memory_space<vmem>>[vector<16xi32>, vector<16xi32>], vector<16xf32>,
      %add3A_208 = arith.constant 4 : i32
      %add3A_209 = vector.broadcast %add3A_208 : i32 to vector<16xi32>
      %add3A_210 = arith.addi %add3A_183, %add3A_209 : vector<16xi32>
      %gather3A_211 = tpu.vector_load_idx %arg20[%add3A_210] : memref<33872xf32, #tpu.memory_space<vmem>>[vector<16xi32>], vector<16xf32>,
      %broadcast_in_dim3A_212 = arith.constant 36 : i32
      %broadcast_in_dim3A_213 = vector.broadcast %broadcast_in_dim3A_212 : i32 to vector<16xi32>
      tpu.vector_store_idx %arg21[%add3A_12, %broadcast_in_dim3A_213], %gather3A_211 : memref<512x128xf32, #tpu.memory_space<vmem>>[vector<16xi32>, vector<16xi32>], vector<16xf32>,
      %add3A_214 = arith.constant 5 : i32
      %add3A_215 = vector.broadcast %add3A_214 : i32 to vector<16xi32>
      %add3A_216 = arith.addi %add3A_183, %add3A_215 : vector<16xi32>
      %gather3A_217 = tpu.vector_load_idx %arg20[%add3A_216] : memref<33872xf32, #tpu.memory_space<vmem>>[vector<16xi32>], vector<16xf32>,
      %broadcast_in_dim3A_218 = arith.constant 37 : i32
      %broadcast_in_dim3A_219 = vector.broadcast %broadcast_in_dim3A_218 : i32 to vector<16xi32>
      tpu.vector_store_idx %arg21[%add3A_12, %broadcast_in_dim3A_219], %gather3A_217 : memref<512x128xf32, #tpu.memory_space<vmem>>[vector<16xi32>, vector<16xi32>], vector<16xf32>,
      %add3A_220 = arith.constant 6 : i32
      %add3A_221 = vector.broadcast %add3A_220 : i32 to vector<16xi32>
      %add3A_222 = arith.addi %add3A_183, %add3A_221 : vector<16xi32>
      %gather3A_223 = tpu.vector_load_idx %arg20[%add3A_222] : memref<33872xf32, #tpu.memory_space<vmem>>[vector<16xi32>], vector<16xf32>,
      %broadcast_in_dim3A_224 = arith.constant 38 : i32
      %broadcast_in_dim3A_225 = vector.broadcast %broadcast_in_dim3A_224 : i32 to vector<16xi32>
      tpu.vector_store_idx %arg21[%add3A_12, %broadcast_in_dim3A_225], %gather3A_223 : memref<512x128xf32, #tpu.memory_space<vmem>>[vector<16xi32>, vector<16xi32>], vector<16xf32>,
      %add3A_226 = arith.constant 7 : i32
      %add3A_227 = vector.broadcast %add3A_226 : i32 to vector<16xi32>
      %add3A_228 = arith.addi %add3A_183, %add3A_227 : vector<16xi32>
      %gather3A_229 = tpu.vector_load_idx %arg20[%add3A_228] : memref<33872xf32, #tpu.memory_space<vmem>>[vector<16xi32>], vector<16xf32>,
      %broadcast_in_dim3A_230 = arith.constant 39 : i32
      %broadcast_in_dim3A_231 = vector.broadcast %broadcast_in_dim3A_230 : i32 to vector<16xi32>
      tpu.vector_store_idx %arg21[%add3A_12, %broadcast_in_dim3A_231], %gather3A_229 : memref<512x128xf32, #tpu.memory_space<vmem>>[vector<16xi32>, vector<16xi32>], vector<16xf32>,
      %mul3A_232 = arith.constant 16 : i32
      %mul3A_233 = arith.muli %scan3A_8, %mul3A_232 : i32
      %get3A_234 = arith.index_cast %mul3A_233 : i32 to index
      %get3A_235 = tpu.vector_load %arg15[%get3A_234] {strides = array<i32>} : memref<512xi32, #tpu.memory_space<vmem>>, vector<16xi32>,
      %mul3A_236 = arith.constant 8 : i32
      %mul3A_237 = vector.broadcast %mul3A_236 : i32 to vector<16xi32>
      %mul3A_238 = arith.muli %get3A_235, %mul3A_237 : vector<16xi32>
      %add3A_239 = arith.constant 16832 : i32
      %add3A_240 = vector.broadcast %add3A_239 : i32 to vector<16xi32>
      %add3A_241 = arith.addi %mul3A_238, %add3A_240 : vector<16xi32>
      %add3A_242 = arith.constant 0 : i32
      %add3A_243 = vector.broadcast %add3A_242 : i32 to vector<16xi32>
      %add3A_244 = arith.addi %add3A_241, %add3A_243 : vector<16xi32>
      %gather3A_245 = tpu.vector_load_idx %arg20[%add3A_244] : memref<33872xf32, #tpu.memory_space<vmem>>[vector<16xi32>], vector<16xf32>,
      %broadcast_in_dim3A_246 = arith.constant 48 : i32
      %broadcast_in_dim3A_247 = vector.broadcast %broadcast_in_dim3A_246 : i32 to vector<16xi32>
      tpu.vector_store_idx %arg21[%add3A_12, %broadcast_in_dim3A_247], %gather3A_245 : memref<512x128xf32, #tpu.memory_space<vmem>>[vector<16xi32>, vector<16xi32>], vector<16xf32>,
      %add3A_248 = arith.constant 1 : i32
      %add3A_249 = vector.broadcast %add3A_248 : i32 to vector<16xi32>
      %add3A_250 = arith.addi %add3A_241, %add3A_249 : vector<16xi32>
      %gather3A_251 = tpu.vector_load_idx %arg20[%add3A_250] : memref<33872xf32, #tpu.memory_space<vmem>>[vector<16xi32>], vector<16xf32>,
      %broadcast_in_dim3A_252 = arith.constant 49 : i32
      %broadcast_in_dim3A_253 = vector.broadcast %broadcast_in_dim3A_252 : i32 to vector<16xi32>
      tpu.vector_store_idx %arg21[%add3A_12, %broadcast_in_dim3A_253], %gather3A_251 : memref<512x128xf32, #tpu.memory_space<vmem>>[vector<16xi32>, vector<16xi32>], vector<16xf32>,
      %add3A_254 = arith.constant 2 : i32
      %add3A_255 = vector.broadcast %add3A_254 : i32 to vector<16xi32>
      %add3A_256 = arith.addi %add3A_241, %add3A_255 : vector<16xi32>
      %gather3A_257 = tpu.vector_load_idx %arg20[%add3A_256] : memref<33872xf32, #tpu.memory_space<vmem>>[vector<16xi32>], vector<16xf32>,
      %broadcast_in_dim3A_258 = arith.constant 50 : i32
      %broadcast_in_dim3A_259 = vector.broadcast %broadcast_in_dim3A_258 : i32 to vector<16xi32>
      tpu.vector_store_idx %arg21[%add3A_12, %broadcast_in_dim3A_259], %gather3A_257 : memref<512x128xf32, #tpu.memory_space<vmem>>[vector<16xi32>, vector<16xi32>], vector<16xf32>,
      %add3A_260 = arith.constant 3 : i32
      %add3A_261 = vector.broadcast %add3A_260 : i32 to vector<16xi32>
      %add3A_262 = arith.addi %add3A_241, %add3A_261 : vector<16xi32>
      %gather3A_263 = tpu.vector_load_idx %arg20[%add3A_262] : memref<33872xf32, #tpu.memory_space<vmem>>[vector<16xi32>], vector<16xf32>,
      %broadcast_in_dim3A_264 = arith.constant 51 : i32
      %broadcast_in_dim3A_265 = vector.broadcast %broadcast_in_dim3A_264 : i32 to vector<16xi32>
      tpu.vector_store_idx %arg21[%add3A_12, %broadcast_in_dim3A_265], %gather3A_263 : memref<512x128xf32, #tpu.memory_space<vmem>>[vector<16xi32>, vector<16xi32>], vector<16xf32>,
      %add3A_266 = arith.constant 4 : i32
      %add3A_267 = vector.broadcast %add3A_266 : i32 to vector<16xi32>
      %add3A_268 = arith.addi %add3A_241, %add3A_267 : vector<16xi32>
      %gather3A_269 = tpu.vector_load_idx %arg20[%add3A_268] : memref<33872xf32, #tpu.memory_space<vmem>>[vector<16xi32>], vector<16xf32>,
      %broadcast_in_dim3A_270 = arith.constant 52 : i32
      %broadcast_in_dim3A_271 = vector.broadcast %broadcast_in_dim3A_270 : i32 to vector<16xi32>
      tpu.vector_store_idx %arg21[%add3A_12, %broadcast_in_dim3A_271], %gather3A_269 : memref<512x128xf32, #tpu.memory_space<vmem>>[vector<16xi32>, vector<16xi32>], vector<16xf32>,
      %add3A_272 = arith.constant 5 : i32
      %add3A_273 = vector.broadcast %add3A_272 : i32 to vector<16xi32>
      %add3A_274 = arith.addi %add3A_241, %add3A_273 : vector<16xi32>
      %gather3A_275 = tpu.vector_load_idx %arg20[%add3A_274] : memref<33872xf32, #tpu.memory_space<vmem>>[vector<16xi32>], vector<16xf32>,
      %broadcast_in_dim3A_276 = arith.constant 53 : i32
      %broadcast_in_dim3A_277 = vector.broadcast %broadcast_in_dim3A_276 : i32 to vector<16xi32>
      tpu.vector_store_idx %arg21[%add3A_12, %broadcast_in_dim3A_277], %gather3A_275 : memref<512x128xf32, #tpu.memory_space<vmem>>[vector<16xi32>, vector<16xi32>], vector<16xf32>,
      %add3A_278 = arith.constant 6 : i32
      %add3A_279 = vector.broadcast %add3A_278 : i32 to vector<16xi32>
      %add3A_280 = arith.addi %add3A_241, %add3A_279 : vector<16xi32>
      %gather3A_281 = tpu.vector_load_idx %arg20[%add3A_280] : memref<33872xf32, #tpu.memory_space<vmem>>[vector<16xi32>], vector<16xf32>,
      %broadcast_in_dim3A_282 = arith.constant 54 : i32
      %broadcast_in_dim3A_283 = vector.broadcast %broadcast_in_dim3A_282 : i32 to vector<16xi32>
      tpu.vector_store_idx %arg21[%add3A_12, %broadcast_in_dim3A_283], %gather3A_281 : memref<512x128xf32, #tpu.memory_space<vmem>>[vector<16xi32>, vector<16xi32>], vector<16xf32>,
      %add3A_284 = arith.constant 7 : i32
      %add3A_285 = vector.broadcast %add3A_284 : i32 to vector<16xi32>
      %add3A_286 = arith.addi %add3A_241, %add3A_285 : vector<16xi32>
      %gather3A_287 = tpu.vector_load_idx %arg20[%add3A_286] : memref<33872xf32, #tpu.memory_space<vmem>>[vector<16xi32>], vector<16xf32>,
      %broadcast_in_dim3A_288 = arith.constant 55 : i32
      %broadcast_in_dim3A_289 = vector.broadcast %broadcast_in_dim3A_288 : i32 to vector<16xi32>
      tpu.vector_store_idx %arg21[%add3A_12, %broadcast_in_dim3A_289], %gather3A_287 : memref<512x128xf32, #tpu.memory_space<vmem>>[vector<16xi32>, vector<16xi32>], vector<16xf32>,
      %mul3A_290 = arith.constant 16 : i32
      %mul3A_291 = arith.muli %scan3A_8, %mul3A_290 : i32
      %get3A_292 = arith.index_cast %mul3A_291 : i32 to index
      %get3A_293 = tpu.vector_load %arg16[%get3A_292] {strides = array<i32>} : memref<512xi32, #tpu.memory_space<vmem>>, vector<16xi32>,
      %mul3A_294 = arith.constant 16 : i32
      %mul3A_295 = vector.broadcast %mul3A_294 : i32 to vector<16xi32>
      %mul3A_296 = arith.muli %get3A_293, %mul3A_295 : vector<16xi32>
      %add3A_297 = arith.constant 16912 : i32
      %add3A_298 = vector.broadcast %add3A_297 : i32 to vector<16xi32>
      %add3A_299 = arith.addi %mul3A_296, %add3A_298 : vector<16xi32>
      %add3A_300 = arith.constant 0 : i32
      %add3A_301 = vector.broadcast %add3A_300 : i32 to vector<16xi32>
      %add3A_302 = arith.addi %add3A_299, %add3A_301 : vector<16xi32>
      %gather3A_303 = tpu.vector_load_idx %arg20[%add3A_302] : memref<33872xf32, #tpu.memory_space<vmem>>[vector<16xi32>], vector<16xf32>,
      %broadcast_in_dim3A_304 = arith.constant 64 : i32
      %broadcast_in_dim3A_305 = vector.broadcast %broadcast_in_dim3A_304 : i32 to vector<16xi32>
      tpu.vector_store_idx %arg21[%add3A_12, %broadcast_in_dim3A_305], %gather3A_303 : memref<512x128xf32, #tpu.memory_space<vmem>>[vector<16xi32>, vector<16xi32>], vector<16xf32>,
      %add3A_306 = arith.constant 1 : i32
      %add3A_307 = vector.broadcast %add3A_306 : i32 to vector<16xi32>
      %add3A_308 = arith.addi %add3A_299, %add3A_307 : vector<16xi32>
      %gather3A_309 = tpu.vector_load_idx %arg20[%add3A_308] : memref<33872xf32, #tpu.memory_space<vmem>>[vector<16xi32>], vector<16xf32>,
      %broadcast_in_dim3A_310 = arith.constant 65 : i32
      %broadcast_in_dim3A_311 = vector.broadcast %broadcast_in_dim3A_310 : i32 to vector<16xi32>
      tpu.vector_store_idx %arg21[%add3A_12, %broadcast_in_dim3A_311], %gather3A_309 : memref<512x128xf32, #tpu.memory_space<vmem>>[vector<16xi32>, vector<16xi32>], vector<16xf32>,
      %add3A_312 = arith.constant 2 : i32
      %add3A_313 = vector.broadcast %add3A_312 : i32 to vector<16xi32>
      %add3A_314 = arith.addi %add3A_299, %add3A_313 : vector<16xi32>
      %gather3A_315 = tpu.vector_load_idx %arg20[%add3A_314] : memref<33872xf32, #tpu.memory_space<vmem>>[vector<16xi32>], vector<16xf32>,
      %broadcast_in_dim3A_316 = arith.constant 66 : i32
      %broadcast_in_dim3A_317 = vector.broadcast %broadcast_in_dim3A_316 : i32 to vector<16xi32>
      tpu.vector_store_idx %arg21[%add3A_12, %broadcast_in_dim3A_317], %gather3A_315 : memref<512x128xf32, #tpu.memory_space<vmem>>[vector<16xi32>, vector<16xi32>], vector<16xf32>,
      %add3A_318 = arith.constant 3 : i32
      %add3A_319 = vector.broadcast %add3A_318 : i32 to vector<16xi32>
      %add3A_320 = arith.addi %add3A_299, %add3A_319 : vector<16xi32>
      %gather3A_321 = tpu.vector_load_idx %arg20[%add3A_320] : memref<33872xf32, #tpu.memory_space<vmem>>[vector<16xi32>], vector<16xf32>,
      %broadcast_in_dim3A_322 = arith.constant 67 : i32
      %broadcast_in_dim3A_323 = vector.broadcast %broadcast_in_dim3A_322 : i32 to vector<16xi32>
      tpu.vector_store_idx %arg21[%add3A_12, %broadcast_in_dim3A_323], %gather3A_321 : memref<512x128xf32, #tpu.memory_space<vmem>>[vector<16xi32>, vector<16xi32>], vector<16xf32>,
      %add3A_324 = arith.constant 4 : i32
      %add3A_325 = vector.broadcast %add3A_324 : i32 to vector<16xi32>
      %add3A_326 = arith.addi %add3A_299, %add3A_325 : vector<16xi32>
      %gather3A_327 = tpu.vector_load_idx %arg20[%add3A_326] : memref<33872xf32, #tpu.memory_space<vmem>>[vector<16xi32>], vector<16xf32>,
      %broadcast_in_dim3A_328 = arith.constant 68 : i32
      %broadcast_in_dim3A_329 = vector.broadcast %broadcast_in_dim3A_328 : i32 to vector<16xi32>
      tpu.vector_store_idx %arg21[%add3A_12, %broadcast_in_dim3A_329], %gather3A_327 : memref<512x128xf32, #tpu.memory_space<vmem>>[vector<16xi32>, vector<16xi32>], vector<16xf32>,
      %add3A_330 = arith.constant 5 : i32
      %add3A_331 = vector.broadcast %add3A_330 : i32 to vector<16xi32>
      %add3A_332 = arith.addi %add3A_299, %add3A_331 : vector<16xi32>
      %gather3A_333 = tpu.vector_load_idx %arg20[%add3A_332] : memref<33872xf32, #tpu.memory_space<vmem>>[vector<16xi32>], vector<16xf32>,
      %broadcast_in_dim3A_334 = arith.constant 69 : i32
      %broadcast_in_dim3A_335 = vector.broadcast %broadcast_in_dim3A_334 : i32 to vector<16xi32>
      tpu.vector_store_idx %arg21[%add3A_12, %broadcast_in_dim3A_335], %gather3A_333 : memref<512x128xf32, #tpu.memory_space<vmem>>[vector<16xi32>, vector<16xi32>], vector<16xf32>,
      %add3A_336 = arith.constant 6 : i32
      %add3A_337 = vector.broadcast %add3A_336 : i32 to vector<16xi32>
      %add3A_338 = arith.addi %add3A_299, %add3A_337 : vector<16xi32>
      %gather3A_339 = tpu.vector_load_idx %arg20[%add3A_338] : memref<33872xf32, #tpu.memory_space<vmem>>[vector<16xi32>], vector<16xf32>,
      %broadcast_in_dim3A_340 = arith.constant 70 : i32
      %broadcast_in_dim3A_341 = vector.broadcast %broadcast_in_dim3A_340 : i32 to vector<16xi32>
      tpu.vector_store_idx %arg21[%add3A_12, %broadcast_in_dim3A_341], %gather3A_339 : memref<512x128xf32, #tpu.memory_space<vmem>>[vector<16xi32>, vector<16xi32>], vector<16xf32>,
      %add3A_342 = arith.constant 7 : i32
      %add3A_343 = vector.broadcast %add3A_342 : i32 to vector<16xi32>
      %add3A_344 = arith.addi %add3A_299, %add3A_343 : vector<16xi32>
      %gather3A_345 = tpu.vector_load_idx %arg20[%add3A_344] : memref<33872xf32, #tpu.memory_space<vmem>>[vector<16xi32>], vector<16xf32>,
      %broadcast_in_dim3A_346 = arith.constant 71 : i32
      %broadcast_in_dim3A_347 = vector.broadcast %broadcast_in_dim3A_346 : i32 to vector<16xi32>
      tpu.vector_store_idx %arg21[%add3A_12, %broadcast_in_dim3A_347], %gather3A_345 : memref<512x128xf32, #tpu.memory_space<vmem>>[vector<16xi32>, vector<16xi32>], vector<16xf32>,
      %add3A_348 = arith.constant 8 : i32
      %add3A_349 = vector.broadcast %add3A_348 : i32 to vector<16xi32>
      %add3A_350 = arith.addi %add3A_299, %add3A_349 : vector<16xi32>
      %gather3A_351 = tpu.vector_load_idx %arg20[%add3A_350] : memref<33872xf32, #tpu.memory_space<vmem>>[vector<16xi32>], vector<16xf32>,
      %broadcast_in_dim3A_352 = arith.constant 72 : i32
      %broadcast_in_dim3A_353 = vector.broadcast %broadcast_in_dim3A_352 : i32 to vector<16xi32>
      tpu.vector_store_idx %arg21[%add3A_12, %broadcast_in_dim3A_353], %gather3A_351 : memref<512x128xf32, #tpu.memory_space<vmem>>[vector<16xi32>, vector<16xi32>], vector<16xf32>,
      %add3A_354 = arith.constant 9 : i32
      %add3A_355 = vector.broadcast %add3A_354 : i32 to vector<16xi32>
      %add3A_356 = arith.addi %add3A_299, %add3A_355 : vector<16xi32>
      %gather3A_357 = tpu.vector_load_idx %arg20[%add3A_356] : memref<33872xf32, #tpu.memory_space<vmem>>[vector<16xi32>], vector<16xf32>,
      %broadcast_in_dim3A_358 = arith.constant 73 : i32
      %broadcast_in_dim3A_359 = vector.broadcast %broadcast_in_dim3A_358 : i32 to vector<16xi32>
      tpu.vector_store_idx %arg21[%add3A_12, %broadcast_in_dim3A_359], %gather3A_357 : memref<512x128xf32, #tpu.memory_space<vmem>>[vector<16xi32>, vector<16xi32>], vector<16xf32>,
      %add3A_360 = arith.constant 10 : i32
      %add3A_361 = vector.broadcast %add3A_360 : i32 to vector<16xi32>
      %add3A_362 = arith.addi %add3A_299, %add3A_361 : vector<16xi32>
      %gather3A_363 = tpu.vector_load_idx %arg20[%add3A_362] : memref<33872xf32, #tpu.memory_space<vmem>>[vector<16xi32>], vector<16xf32>,
      %broadcast_in_dim3A_364 = arith.constant 74 : i32
      %broadcast_in_dim3A_365 = vector.broadcast %broadcast_in_dim3A_364 : i32 to vector<16xi32>
      tpu.vector_store_idx %arg21[%add3A_12, %broadcast_in_dim3A_365], %gather3A_363 : memref<512x128xf32, #tpu.memory_space<vmem>>[vector<16xi32>, vector<16xi32>], vector<16xf32>,
      %add3A_366 = arith.constant 11 : i32
      %add3A_367 = vector.broadcast %add3A_366 : i32 to vector<16xi32>
      %add3A_368 = arith.addi %add3A_299, %add3A_367 : vector<16xi32>
      %gather3A_369 = tpu.vector_load_idx %arg20[%add3A_368] : memref<33872xf32, #tpu.memory_space<vmem>>[vector<16xi32>], vector<16xf32>,
      %broadcast_in_dim3A_370 = arith.constant 75 : i32
      %broadcast_in_dim3A_371 = vector.broadcast %broadcast_in_dim3A_370 : i32 to vector<16xi32>
      tpu.vector_store_idx %arg21[%add3A_12, %broadcast_in_dim3A_371], %gather3A_369 : memref<512x128xf32, #tpu.memory_space<vmem>>[vector<16xi32>, vector<16xi32>], vector<16xf32>,
      %add3A_372 = arith.constant 12 : i32
      %add3A_373 = vector.broadcast %add3A_372 : i32 to vector<16xi32>
      %add3A_374 = arith.addi %add3A_299, %add3A_373 : vector<16xi32>
      %gather3A_375 = tpu.vector_load_idx %arg20[%add3A_374] : memref<33872xf32, #tpu.memory_space<vmem>>[vector<16xi32>], vector<16xf32>,
      %broadcast_in_dim3A_376 = arith.constant 76 : i32
      %broadcast_in_dim3A_377 = vector.broadcast %broadcast_in_dim3A_376 : i32 to vector<16xi32>
      tpu.vector_store_idx %arg21[%add3A_12, %broadcast_in_dim3A_377], %gather3A_375 : memref<512x128xf32, #tpu.memory_space<vmem>>[vector<16xi32>, vector<16xi32>], vector<16xf32>,
      %add3A_378 = arith.constant 13 : i32
      %add3A_379 = vector.broadcast %add3A_378 : i32 to vector<16xi32>
      %add3A_380 = arith.addi %add3A_299, %add3A_379 : vector<16xi32>
      %gather3A_381 = tpu.vector_load_idx %arg20[%add3A_380] : memref<33872xf32, #tpu.memory_space<vmem>>[vector<16xi32>], vector<16xf32>,
      %broadcast_in_dim3A_382 = arith.constant 77 : i32
      %broadcast_in_dim3A_383 = vector.broadcast %broadcast_in_dim3A_382 : i32 to vector<16xi32>
      tpu.vector_store_idx %arg21[%add3A_12, %broadcast_in_dim3A_383], %gather3A_381 : memref<512x128xf32, #tpu.memory_space<vmem>>[vector<16xi32>, vector<16xi32>], vector<16xf32>,
      %add3A_384 = arith.constant 14 : i32
      %add3A_385 = vector.broadcast %add3A_384 : i32 to vector<16xi32>
      %add3A_386 = arith.addi %add3A_299, %add3A_385 : vector<16xi32>
      %gather3A_387 = tpu.vector_load_idx %arg20[%add3A_386] : memref<33872xf32, #tpu.memory_space<vmem>>[vector<16xi32>], vector<16xf32>,
      %broadcast_in_dim3A_388 = arith.constant 78 : i32
      %broadcast_in_dim3A_389 = vector.broadcast %broadcast_in_dim3A_388 : i32 to vector<16xi32>
      tpu.vector_store_idx %arg21[%add3A_12, %broadcast_in_dim3A_389], %gather3A_387 : memref<512x128xf32, #tpu.memory_space<vmem>>[vector<16xi32>, vector<16xi32>], vector<16xf32>,
      %add3A_390 = arith.constant 15 : i32
      %add3A_391 = vector.broadcast %add3A_390 : i32 to vector<16xi32>
      %add3A_392 = arith.addi %add3A_299, %add3A_391 : vector<16xi32>
      %gather3A_393 = tpu.vector_load_idx %arg20[%add3A_392] : memref<33872xf32, #tpu.memory_space<vmem>>[vector<16xi32>], vector<16xf32>,
      %broadcast_in_dim3A_394 = arith.constant 79 : i32
      %broadcast_in_dim3A_395 = vector.broadcast %broadcast_in_dim3A_394 : i32 to vector<16xi32>
      tpu.vector_store_idx %arg21[%add3A_12, %broadcast_in_dim3A_395], %gather3A_393 : memref<512x128xf32, #tpu.memory_space<vmem>>[vector<16xi32>, vector<16xi32>], vector<16xf32>,
      %mul3A_396 = arith.constant 16 : i32
      %mul3A_397 = arith.muli %scan3A_8, %mul3A_396 : i32
      %get3A_398 = arith.index_cast %mul3A_397 : i32 to index
      %get3A_399 = tpu.vector_load %arg17[%get3A_398] {strides = array<i32>} : memref<512xi32, #tpu.memory_space<vmem>>, vector<16xi32>,
      %mul3A_400 = arith.constant 8 : i32
      %mul3A_401 = vector.broadcast %mul3A_400 : i32 to vector<16xi32>
      %mul3A_402 = arith.muli %get3A_399, %mul3A_401 : vector<16xi32>
      %add3A_403 = arith.constant 32912 : i32
      %add3A_404 = vector.broadcast %add3A_403 : i32 to vector<16xi32>
      %add3A_405 = arith.addi %mul3A_402, %add3A_404 : vector<16xi32>
      %add3A_406 = arith.constant 0 : i32
      %add3A_407 = vector.broadcast %add3A_406 : i32 to vector<16xi32>
      %add3A_408 = arith.addi %add3A_405, %add3A_407 : vector<16xi32>
      %gather3A_409 = tpu.vector_load_idx %arg20[%add3A_408] : memref<33872xf32, #tpu.memory_space<vmem>>[vector<16xi32>], vector<16xf32>,
      %broadcast_in_dim3A_410 = arith.constant 80 : i32
      %broadcast_in_dim3A_411 = vector.broadcast %broadcast_in_dim3A_410 : i32 to vector<16xi32>
      tpu.vector_store_idx %arg21[%add3A_12, %broadcast_in_dim3A_411], %gather3A_409 : memref<512x128xf32, #tpu.memory_space<vmem>>[vector<16xi32>, vector<16xi32>], vector<16xf32>,
      %add3A_412 = arith.constant 1 : i32
      %add3A_413 = vector.broadcast %add3A_412 : i32 to vector<16xi32>
      %add3A_414 = arith.addi %add3A_405, %add3A_413 : vector<16xi32>
      %gather3A_415 = tpu.vector_load_idx %arg20[%add3A_414] : memref<33872xf32, #tpu.memory_space<vmem>>[vector<16xi32>], vector<16xf32>,
      %broadcast_in_dim3A_416 = arith.constant 81 : i32
      %broadcast_in_dim3A_417 = vector.broadcast %broadcast_in_dim3A_416 : i32 to vector<16xi32>
      tpu.vector_store_idx %arg21[%add3A_12, %broadcast_in_dim3A_417], %gather3A_415 : memref<512x128xf32, #tpu.memory_space<vmem>>[vector<16xi32>, vector<16xi32>], vector<16xf32>,
      %add3A_418 = arith.constant 2 : i32
      %add3A_419 = vector.broadcast %add3A_418 : i32 to vector<16xi32>
      %add3A_420 = arith.addi %add3A_405, %add3A_419 : vector<16xi32>
      %gather3A_421 = tpu.vector_load_idx %arg20[%add3A_420] : memref<33872xf32, #tpu.memory_space<vmem>>[vector<16xi32>], vector<16xf32>,
      %broadcast_in_dim3A_422 = arith.constant 82 : i32
      %broadcast_in_dim3A_423 = vector.broadcast %broadcast_in_dim3A_422 : i32 to vector<16xi32>
      tpu.vector_store_idx %arg21[%add3A_12, %broadcast_in_dim3A_423], %gather3A_421 : memref<512x128xf32, #tpu.memory_space<vmem>>[vector<16xi32>, vector<16xi32>], vector<16xf32>,
      %add3A_424 = arith.constant 3 : i32
      %add3A_425 = vector.broadcast %add3A_424 : i32 to vector<16xi32>
      %add3A_426 = arith.addi %add3A_405, %add3A_425 : vector<16xi32>
      %gather3A_427 = tpu.vector_load_idx %arg20[%add3A_426] : memref<33872xf32, #tpu.memory_space<vmem>>[vector<16xi32>], vector<16xf32>,
      %broadcast_in_dim3A_428 = arith.constant 83 : i32
      %broadcast_in_dim3A_429 = vector.broadcast %broadcast_in_dim3A_428 : i32 to vector<16xi32>
      tpu.vector_store_idx %arg21[%add3A_12, %broadcast_in_dim3A_429], %gather3A_427 : memref<512x128xf32, #tpu.memory_space<vmem>>[vector<16xi32>, vector<16xi32>], vector<16xf32>,
      %add3A_430 = arith.constant 4 : i32
      %add3A_431 = vector.broadcast %add3A_430 : i32 to vector<16xi32>
      %add3A_432 = arith.addi %add3A_405, %add3A_431 : vector<16xi32>
      %gather3A_433 = tpu.vector_load_idx %arg20[%add3A_432] : memref<33872xf32, #tpu.memory_space<vmem>>[vector<16xi32>], vector<16xf32>,
      %broadcast_in_dim3A_434 = arith.constant 84 : i32
      %broadcast_in_dim3A_435 = vector.broadcast %broadcast_in_dim3A_434 : i32 to vector<16xi32>
      tpu.vector_store_idx %arg21[%add3A_12, %broadcast_in_dim3A_435], %gather3A_433 : memref<512x128xf32, #tpu.memory_space<vmem>>[vector<16xi32>, vector<16xi32>], vector<16xf32>,
      %add3A_436 = arith.constant 5 : i32
      %add3A_437 = vector.broadcast %add3A_436 : i32 to vector<16xi32>
      %add3A_438 = arith.addi %add3A_405, %add3A_437 : vector<16xi32>
      %gather3A_439 = tpu.vector_load_idx %arg20[%add3A_438] : memref<33872xf32, #tpu.memory_space<vmem>>[vector<16xi32>], vector<16xf32>,
      %broadcast_in_dim3A_440 = arith.constant 85 : i32
      %broadcast_in_dim3A_441 = vector.broadcast %broadcast_in_dim3A_440 : i32 to vector<16xi32>
      tpu.vector_store_idx %arg21[%add3A_12, %broadcast_in_dim3A_441], %gather3A_439 : memref<512x128xf32, #tpu.memory_space<vmem>>[vector<16xi32>, vector<16xi32>], vector<16xf32>,
      %add3A_442 = arith.constant 6 : i32
      %add3A_443 = vector.broadcast %add3A_442 : i32 to vector<16xi32>
      %add3A_444 = arith.addi %add3A_405, %add3A_443 : vector<16xi32>
      %gather3A_445 = tpu.vector_load_idx %arg20[%add3A_444] : memref<33872xf32, #tpu.memory_space<vmem>>[vector<16xi32>], vector<16xf32>,
      %broadcast_in_dim3A_446 = arith.constant 86 : i32
      %broadcast_in_dim3A_447 = vector.broadcast %broadcast_in_dim3A_446 : i32 to vector<16xi32>
      tpu.vector_store_idx %arg21[%add3A_12, %broadcast_in_dim3A_447], %gather3A_445 : memref<512x128xf32, #tpu.memory_space<vmem>>[vector<16xi32>, vector<16xi32>], vector<16xf32>,
      %add3A_448 = arith.constant 7 : i32
      %add3A_449 = vector.broadcast %add3A_448 : i32 to vector<16xi32>
      %add3A_450 = arith.addi %add3A_405, %add3A_449 : vector<16xi32>
      %gather3A_451 = tpu.vector_load_idx %arg20[%add3A_450] : memref<33872xf32, #tpu.memory_space<vmem>>[vector<16xi32>], vector<16xf32>,
      %broadcast_in_dim3A_452 = arith.constant 87 : i32
      %broadcast_in_dim3A_453 = vector.broadcast %broadcast_in_dim3A_452 : i32 to vector<16xi32>
      tpu.vector_store_idx %arg21[%add3A_12, %broadcast_in_dim3A_453], %gather3A_451 : memref<512x128xf32, #tpu.memory_space<vmem>>[vector<16xi32>, vector<16xi32>], vector<16xf32>,
      %mul3A_454 = arith.constant 16 : i32
      %mul3A_455 = arith.muli %scan3A_8, %mul3A_454 : i32
      %get3A_456 = arith.index_cast %mul3A_455 : i32 to index
      %get3A_457 = tpu.vector_load %arg18[%get3A_456] {strides = array<i32>} : memref<512xi32, #tpu.memory_space<vmem>>, vector<16xi32>,
      %mul3A_458 = arith.constant 8 : i32
      %mul3A_459 = vector.broadcast %mul3A_458 : i32 to vector<16xi32>
      %mul3A_460 = arith.muli %get3A_457, %mul3A_459 : vector<16xi32>
      %add3A_461 = arith.constant 33712 : i32
      %add3A_462 = vector.broadcast %add3A_461 : i32 to vector<16xi32>
      %add3A_463 = arith.addi %mul3A_460, %add3A_462 : vector<16xi32>
      %add3A_464 = arith.constant 0 : i32
      %add3A_465 = vector.broadcast %add3A_464 : i32 to vector<16xi32>
      %add3A_466 = arith.addi %add3A_463, %add3A_465 : vector<16xi32>
      %gather3A_467 = tpu.vector_load_idx %arg20[%add3A_466] : memref<33872xf32, #tpu.memory_space<vmem>>[vector<16xi32>], vector<16xf32>,
      %broadcast_in_dim3A_468 = arith.constant 96 : i32
      %broadcast_in_dim3A_469 = vector.broadcast %broadcast_in_dim3A_468 : i32 to vector<16xi32>
      tpu.vector_store_idx %arg21[%add3A_12, %broadcast_in_dim3A_469], %gather3A_467 : memref<512x128xf32, #tpu.memory_space<vmem>>[vector<16xi32>, vector<16xi32>], vector<16xf32>,
      %add3A_470 = arith.constant 1 : i32
      %add3A_471 = vector.broadcast %add3A_470 : i32 to vector<16xi32>
      %add3A_472 = arith.addi %add3A_463, %add3A_471 : vector<16xi32>
      %gather3A_473 = tpu.vector_load_idx %arg20[%add3A_472] : memref<33872xf32, #tpu.memory_space<vmem>>[vector<16xi32>], vector<16xf32>,
      %broadcast_in_dim3A_474 = arith.constant 97 : i32
      %broadcast_in_dim3A_475 = vector.broadcast %broadcast_in_dim3A_474 : i32 to vector<16xi32>
      tpu.vector_store_idx %arg21[%add3A_12, %broadcast_in_dim3A_475], %gather3A_473 : memref<512x128xf32, #tpu.memory_space<vmem>>[vector<16xi32>, vector<16xi32>], vector<16xf32>,
      %add3A_476 = arith.constant 2 : i32
      %add3A_477 = vector.broadcast %add3A_476 : i32 to vector<16xi32>
      %add3A_478 = arith.addi %add3A_463, %add3A_477 : vector<16xi32>
      %gather3A_479 = tpu.vector_load_idx %arg20[%add3A_478] : memref<33872xf32, #tpu.memory_space<vmem>>[vector<16xi32>], vector<16xf32>,
      %broadcast_in_dim3A_480 = arith.constant 98 : i32
      %broadcast_in_dim3A_481 = vector.broadcast %broadcast_in_dim3A_480 : i32 to vector<16xi32>
      tpu.vector_store_idx %arg21[%add3A_12, %broadcast_in_dim3A_481], %gather3A_479 : memref<512x128xf32, #tpu.memory_space<vmem>>[vector<16xi32>, vector<16xi32>], vector<16xf32>,
      %add3A_482 = arith.constant 3 : i32
      %add3A_483 = vector.broadcast %add3A_482 : i32 to vector<16xi32>
      %add3A_484 = arith.addi %add3A_463, %add3A_483 : vector<16xi32>
      %gather3A_485 = tpu.vector_load_idx %arg20[%add3A_484] : memref<33872xf32, #tpu.memory_space<vmem>>[vector<16xi32>], vector<16xf32>,
      %broadcast_in_dim3A_486 = arith.constant 99 : i32
      %broadcast_in_dim3A_487 = vector.broadcast %broadcast_in_dim3A_486 : i32 to vector<16xi32>
      tpu.vector_store_idx %arg21[%add3A_12, %broadcast_in_dim3A_487], %gather3A_485 : memref<512x128xf32, #tpu.memory_space<vmem>>[vector<16xi32>, vector<16xi32>], vector<16xf32>,
      %add3A_488 = arith.constant 4 : i32
      %add3A_489 = vector.broadcast %add3A_488 : i32 to vector<16xi32>
      %add3A_490 = arith.addi %add3A_463, %add3A_489 : vector<16xi32>
      %gather3A_491 = tpu.vector_load_idx %arg20[%add3A_490] : memref<33872xf32, #tpu.memory_space<vmem>>[vector<16xi32>], vector<16xf32>,
      %broadcast_in_dim3A_492 = arith.constant 100 : i32
      %broadcast_in_dim3A_493 = vector.broadcast %broadcast_in_dim3A_492 : i32 to vector<16xi32>
      tpu.vector_store_idx %arg21[%add3A_12, %broadcast_in_dim3A_493], %gather3A_491 : memref<512x128xf32, #tpu.memory_space<vmem>>[vector<16xi32>, vector<16xi32>], vector<16xf32>,
      %add3A_494 = arith.constant 5 : i32
      %add3A_495 = vector.broadcast %add3A_494 : i32 to vector<16xi32>
      %add3A_496 = arith.addi %add3A_463, %add3A_495 : vector<16xi32>
      %gather3A_497 = tpu.vector_load_idx %arg20[%add3A_496] : memref<33872xf32, #tpu.memory_space<vmem>>[vector<16xi32>], vector<16xf32>,
      %broadcast_in_dim3A_498 = arith.constant 101 : i32
      %broadcast_in_dim3A_499 = vector.broadcast %broadcast_in_dim3A_498 : i32 to vector<16xi32>
      tpu.vector_store_idx %arg21[%add3A_12, %broadcast_in_dim3A_499], %gather3A_497 : memref<512x128xf32, #tpu.memory_space<vmem>>[vector<16xi32>, vector<16xi32>], vector<16xf32>,
      %add3A_500 = arith.constant 6 : i32
      %add3A_501 = vector.broadcast %add3A_500 : i32 to vector<16xi32>
      %add3A_502 = arith.addi %add3A_463, %add3A_501 : vector<16xi32>
      %gather3A_503 = tpu.vector_load_idx %arg20[%add3A_502] : memref<33872xf32, #tpu.memory_space<vmem>>[vector<16xi32>], vector<16xf32>,
      %broadcast_in_dim3A_504 = arith.constant 102 : i32
      %broadcast_in_dim3A_505 = vector.broadcast %broadcast_in_dim3A_504 : i32 to vector<16xi32>
      tpu.vector_store_idx %arg21[%add3A_12, %broadcast_in_dim3A_505], %gather3A_503 : memref<512x128xf32, #tpu.memory_space<vmem>>[vector<16xi32>, vector<16xi32>], vector<16xf32>,
      %add3A_506 = arith.constant 7 : i32
      %add3A_507 = vector.broadcast %add3A_506 : i32 to vector<16xi32>
      %add3A_508 = arith.addi %add3A_463, %add3A_507 : vector<16xi32>
      %gather3A_509 = tpu.vector_load_idx %arg20[%add3A_508] : memref<33872xf32, #tpu.memory_space<vmem>>[vector<16xi32>], vector<16xf32>,
      %broadcast_in_dim3A_510 = arith.constant 103 : i32
      %broadcast_in_dim3A_511 = vector.broadcast %broadcast_in_dim3A_510 : i32 to vector<16xi32>
      tpu.vector_store_idx %arg21[%add3A_12, %broadcast_in_dim3A_511], %gather3A_509 : memref<512x128xf32, #tpu.memory_space<vmem>>[vector<16xi32>, vector<16xi32>], vector<16xf32>,
      %mul3A_512 = arith.constant 16 : i32
      %mul3A_513 = arith.muli %scan3A_8, %mul3A_512 : i32
      %get3A_514 = arith.index_cast %mul3A_513 : i32 to index
      %get3A_515 = tpu.vector_load %arg19[%get3A_514] {strides = array<i32>} : memref<512xi32, #tpu.memory_space<vmem>>, vector<16xi32>,
      %mul3A_516 = arith.constant 8 : i32
      %mul3A_517 = vector.broadcast %mul3A_516 : i32 to vector<16xi32>
      %mul3A_518 = arith.muli %get3A_515, %mul3A_517 : vector<16xi32>
      %add3A_519 = arith.constant 33792 : i32
      %add3A_520 = vector.broadcast %add3A_519 : i32 to vector<16xi32>
      %add3A_521 = arith.addi %mul3A_518, %add3A_520 : vector<16xi32>
      %add3A_522 = arith.constant 0 : i32
      %add3A_523 = vector.broadcast %add3A_522 : i32 to vector<16xi32>
      %add3A_524 = arith.addi %add3A_521, %add3A_523 : vector<16xi32>
      %gather3A_525 = tpu.vector_load_idx %arg20[%add3A_524] : memref<33872xf32, #tpu.memory_space<vmem>>[vector<16xi32>], vector<16xf32>,
      %broadcast_in_dim3A_526 = arith.constant 112 : i32
      %broadcast_in_dim3A_527 = vector.broadcast %broadcast_in_dim3A_526 : i32 to vector<16xi32>
      tpu.vector_store_idx %arg21[%add3A_12, %broadcast_in_dim3A_527], %gather3A_525 : memref<512x128xf32, #tpu.memory_space<vmem>>[vector<16xi32>, vector<16xi32>], vector<16xf32>,
      %add3A_528 = arith.constant 1 : i32
      %add3A_529 = vector.broadcast %add3A_528 : i32 to vector<16xi32>
      %add3A_530 = arith.addi %add3A_521, %add3A_529 : vector<16xi32>
      %gather3A_531 = tpu.vector_load_idx %arg20[%add3A_530] : memref<33872xf32, #tpu.memory_space<vmem>>[vector<16xi32>], vector<16xf32>,
      %broadcast_in_dim3A_532 = arith.constant 113 : i32
      %broadcast_in_dim3A_533 = vector.broadcast %broadcast_in_dim3A_532 : i32 to vector<16xi32>
      tpu.vector_store_idx %arg21[%add3A_12, %broadcast_in_dim3A_533], %gather3A_531 : memref<512x128xf32, #tpu.memory_space<vmem>>[vector<16xi32>, vector<16xi32>], vector<16xf32>,
      %add3A_534 = arith.constant 2 : i32
      %add3A_535 = vector.broadcast %add3A_534 : i32 to vector<16xi32>
      %add3A_536 = arith.addi %add3A_521, %add3A_535 : vector<16xi32>
      %gather3A_537 = tpu.vector_load_idx %arg20[%add3A_536] : memref<33872xf32, #tpu.memory_space<vmem>>[vector<16xi32>], vector<16xf32>,
      %broadcast_in_dim3A_538 = arith.constant 114 : i32
      %broadcast_in_dim3A_539 = vector.broadcast %broadcast_in_dim3A_538 : i32 to vector<16xi32>
      tpu.vector_store_idx %arg21[%add3A_12, %broadcast_in_dim3A_539], %gather3A_537 : memref<512x128xf32, #tpu.memory_space<vmem>>[vector<16xi32>, vector<16xi32>], vector<16xf32>,
      %add3A_540 = arith.constant 3 : i32
      %add3A_541 = vector.broadcast %add3A_540 : i32 to vector<16xi32>
      %add3A_542 = arith.addi %add3A_521, %add3A_541 : vector<16xi32>
      %gather3A_543 = tpu.vector_load_idx %arg20[%add3A_542] : memref<33872xf32, #tpu.memory_space<vmem>>[vector<16xi32>], vector<16xf32>,
      %broadcast_in_dim3A_544 = arith.constant 115 : i32
      %broadcast_in_dim3A_545 = vector.broadcast %broadcast_in_dim3A_544 : i32 to vector<16xi32>
      tpu.vector_store_idx %arg21[%add3A_12, %broadcast_in_dim3A_545], %gather3A_543 : memref<512x128xf32, #tpu.memory_space<vmem>>[vector<16xi32>, vector<16xi32>], vector<16xf32>,
      %add3A_546 = arith.constant 4 : i32
      %add3A_547 = vector.broadcast %add3A_546 : i32 to vector<16xi32>
      %add3A_548 = arith.addi %add3A_521, %add3A_547 : vector<16xi32>
      %gather3A_549 = tpu.vector_load_idx %arg20[%add3A_548] : memref<33872xf32, #tpu.memory_space<vmem>>[vector<16xi32>], vector<16xf32>,
      %broadcast_in_dim3A_550 = arith.constant 116 : i32
      %broadcast_in_dim3A_551 = vector.broadcast %broadcast_in_dim3A_550 : i32 to vector<16xi32>
      tpu.vector_store_idx %arg21[%add3A_12, %broadcast_in_dim3A_551], %gather3A_549 : memref<512x128xf32, #tpu.memory_space<vmem>>[vector<16xi32>, vector<16xi32>], vector<16xf32>,
      %add3A_552 = arith.constant 5 : i32
      %add3A_553 = vector.broadcast %add3A_552 : i32 to vector<16xi32>
      %add3A_554 = arith.addi %add3A_521, %add3A_553 : vector<16xi32>
      %gather3A_555 = tpu.vector_load_idx %arg20[%add3A_554] : memref<33872xf32, #tpu.memory_space<vmem>>[vector<16xi32>], vector<16xf32>,
      %broadcast_in_dim3A_556 = arith.constant 117 : i32
      %broadcast_in_dim3A_557 = vector.broadcast %broadcast_in_dim3A_556 : i32 to vector<16xi32>
      tpu.vector_store_idx %arg21[%add3A_12, %broadcast_in_dim3A_557], %gather3A_555 : memref<512x128xf32, #tpu.memory_space<vmem>>[vector<16xi32>, vector<16xi32>], vector<16xf32>,
      %add3A_558 = arith.constant 6 : i32
      %add3A_559 = vector.broadcast %add3A_558 : i32 to vector<16xi32>
      %add3A_560 = arith.addi %add3A_521, %add3A_559 : vector<16xi32>
      %gather3A_561 = tpu.vector_load_idx %arg20[%add3A_560] : memref<33872xf32, #tpu.memory_space<vmem>>[vector<16xi32>], vector<16xf32>,
      %broadcast_in_dim3A_562 = arith.constant 118 : i32
      %broadcast_in_dim3A_563 = vector.broadcast %broadcast_in_dim3A_562 : i32 to vector<16xi32>
      tpu.vector_store_idx %arg21[%add3A_12, %broadcast_in_dim3A_563], %gather3A_561 : memref<512x128xf32, #tpu.memory_space<vmem>>[vector<16xi32>, vector<16xi32>], vector<16xf32>,
      %add3A_564 = arith.constant 7 : i32
      %add3A_565 = vector.broadcast %add3A_564 : i32 to vector<16xi32>
      %add3A_566 = arith.addi %add3A_521, %add3A_565 : vector<16xi32>
      %gather3A_567 = tpu.vector_load_idx %arg20[%add3A_566] : memref<33872xf32, #tpu.memory_space<vmem>>[vector<16xi32>], vector<16xf32>,
      %broadcast_in_dim3A_568 = arith.constant 119 : i32
      %broadcast_in_dim3A_569 = vector.broadcast %broadcast_in_dim3A_568 : i32 to vector<16xi32>
      tpu.vector_store_idx %arg21[%add3A_12, %broadcast_in_dim3A_569], %gather3A_567 : memref<512x128xf32, #tpu.memory_space<vmem>>[vector<16xi32>, vector<16xi32>], vector<16xf32>,
    }
    %scan3A_7 = arith.constant 32 : i32
    "tpu.region"() ({
      %run_scoped3A = tpu.sem_alloc : memref<!tpu.dma_semaphore, #tpu.memory_space<semaphore_mem>>
      %dma_start3A = arith.constant 0 : i32
      %dma_start3A_8 = tpu.memref_slice %arg11[%mul3A_2, %dma_start3A] : memref<16384x128xf32, #tpu.memory_space<hbm>> -> memref<512x128xf32, #tpu.memory_space<hbm>>
      %dma_start3A_9 = arith.constant 0 : i32
      %dma_start3A_10 = tpu.memref_slice %arg11[%mul3A_2, %dma_start3A_9] : memref<16384x128xf32, #tpu.memory_space<hbm>> -> memref<512x128xf32, #tpu.memory_space<hbm>>
      tpu.enqueue_dma source(%arg21 : memref<512x128xf32, #tpu.memory_space<vmem>>) target(%dma_start3A_10 : memref<512x128xf32, #tpu.memory_space<hbm>>) target_semaphore(%run_scoped3A : memref<!tpu.dma_semaphore, #tpu.memory_space<semaphore_mem>>)
      %dma_wait3A = arith.constant 0 : i32
      %dma_wait3A_11 = tpu.memref_slice %arg11[%mul3A_2, %dma_wait3A] : memref<16384x128xf32, #tpu.memory_space<hbm>> -> memref<512x128xf32, #tpu.memory_space<hbm>>
      %dma_wait3A_12 = arith.constant 0 : i32
      %dma_wait3A_13 = tpu.memref_slice %arg11[%mul3A_2, %dma_wait3A_12] : memref<16384x128xf32, #tpu.memory_space<hbm>> -> memref<512x128xf32, #tpu.memory_space<hbm>>
      tpu.wait_dma2 semaphore(%run_scoped3A : memref<!tpu.dma_semaphore, #tpu.memory_space<semaphore_mem>>) src(%arg21 : memref<512x128xf32, #tpu.memory_space<vmem>>) dst(%dma_wait3A_13 : memref<512x128xf32, #tpu.memory_space<hbm>>)
      tpu.yield
    }) : () -> ()
    return
  }
}

#map = affine_map<(d0, d1) -> (0)>
#map1 = affine_map<(d0, d1) -> (0, 0)>
module attributes {stable_mosaic.version = 14 : i64} {
  func.func @_sc_user(%arg0: i32, %arg1: i32, %arg2: memref<16384xi32, #tpu.memory_space<hbm>>, %arg3: memref<1000000x64xf32, #tpu.memory_space<hbm>>, %arg4: memref<16384x64xf32, #tpu.memory_space<hbm>>, %arg5: memref<512xi32, #tpu.memory_space<vmem>>, %arg6: memref<!tpu.dma_semaphore, #tpu.memory_space<semaphore_mem>>) attributes {dimension_semantics = [#tpu.dimension_semantics<core_parallel>, #tpu.dimension_semantics<subcore_parallel>], iteration_bounds = array<i64: 2, 16>, scalar_prefetch = 0 : i64, scratch_operands = 2 : i64, tpu.core_type = #tpu.core_type<sc_vector_subcore>, window_params = [{transform_indices = #map}, {transform_indices = #map1}, {transform_indices = #map1}]} {
    %mul3A = arith.constant 2 : i32
    %mul3A_0 = arith.muli %arg1, %mul3A : i32
    %add3A = arith.addi %mul3A_0, %arg0 : i32
    %mul3A_1 = arith.constant 512 : i32
    %mul3A_2 = arith.muli %add3A, %mul3A_1 : i32
    "tpu.region"() ({
      %run_scoped3A = tpu.sem_alloc : memref<!tpu.dma_semaphore, #tpu.memory_space<semaphore_mem>>
      %dma_start3A = tpu.memref_slice %arg2[%mul3A_2] : memref<16384xi32, #tpu.memory_space<hbm>> -> memref<512xi32, #tpu.memory_space<hbm>>
      %dma_start3A_9 = tpu.memref_slice %arg2[%mul3A_2] : memref<16384xi32, #tpu.memory_space<hbm>> -> memref<512xi32, #tpu.memory_space<hbm>>
      tpu.enqueue_dma source(%dma_start3A_9 : memref<512xi32, #tpu.memory_space<hbm>>) target(%arg5 : memref<512xi32, #tpu.memory_space<vmem>>) target_semaphore(%run_scoped3A : memref<!tpu.dma_semaphore, #tpu.memory_space<semaphore_mem>>)
      %dma_wait3A_10 = tpu.memref_slice %arg2[%mul3A_2] : memref<16384xi32, #tpu.memory_space<hbm>> -> memref<512xi32, #tpu.memory_space<hbm>>
      %dma_wait3A_11 = tpu.memref_slice %arg2[%mul3A_2] : memref<16384xi32, #tpu.memory_space<hbm>> -> memref<512xi32, #tpu.memory_space<hbm>>
      tpu.wait_dma2 semaphore(%run_scoped3A : memref<!tpu.dma_semaphore, #tpu.memory_space<semaphore_mem>>) src(%dma_wait3A_11 : memref<512xi32, #tpu.memory_space<hbm>>) dst(%arg5 : memref<512xi32, #tpu.memory_space<vmem>>)
      tpu.yield
    }) : () -> ()
    %parallel_loop3A = arith.constant 0 : i32
    %parallel_loop3A_3 = arith.constant 32 : i32
    %parallel_loop3A_4 = arith.constant 1 : i32
    scf.for %parallel_loop3A_9 = %parallel_loop3A to %parallel_loop3A_3 step %parallel_loop3A_4  : i32 {
      %parallel_loop3A_10 = arith.constant 16 : i32
      %parallel_loop3A_11 = arith.muli %parallel_loop3A_9, %parallel_loop3A_10 : i32
      %parallel_loop3A_12 = arith.index_cast %parallel_loop3A_11 : i32 to index
      %parallel_loop3A_13 = tpu.vector_load %arg5[%parallel_loop3A_12] {strides = array<i32>} : memref<512xi32, #tpu.memory_space<vmem>>, vector<16xi32>,
      %parallel_loop3A_14 = vector.extract_strided_slice %parallel_loop3A_13 {offsets = [0], sizes = [1], strides = [1]} : vector<16xi32> to vector<1xi32>
      %parallel_loop3A_15 = vector.extract %parallel_loop3A_14[0] : i32 from vector<1xi32>
      %parallel_loop3A_16 = arith.constant 16 : i32
      %parallel_loop3A_17 = arith.muli %parallel_loop3A_9, %parallel_loop3A_16 : i32
      %parallel_loop3A_18 = arith.addi %mul3A_2, %parallel_loop3A_17 : i32
      %parallel_loop3A_19 = arith.constant 0 : i32
      %parallel_loop3A_20 = arith.addi %parallel_loop3A_18, %parallel_loop3A_19 : i32
      %parallel_loop3A_21 = arith.constant 0 : i32
      %parallel_loop3A_22 = tpu.memref_slice %arg4[%parallel_loop3A_20, %parallel_loop3A_21] : memref<16384x64xf32, #tpu.memory_space<hbm>> -> memref<1x64xf32, #tpu.memory_space<hbm>>
      %parallel_loop3A_23 = arith.constant 0 : i32
      %parallel_loop3A_24 = tpu.memref_slice %arg3[%parallel_loop3A_15, %parallel_loop3A_23] : memref<1000000x64xf32, #tpu.memory_space<hbm>> -> memref<1x64xf32, #tpu.memory_space<hbm>>
      tpu.enqueue_dma source(%parallel_loop3A_24 : memref<1x64xf32, #tpu.memory_space<hbm>>) target(%parallel_loop3A_22 : memref<1x64xf32, #tpu.memory_space<hbm>>) target_semaphore(%arg6 : memref<!tpu.dma_semaphore, #tpu.memory_space<semaphore_mem>>)
      %parallel_loop3A_25 = vector.extract_strided_slice %parallel_loop3A_13 {offsets = [1], sizes = [1], strides = [1]} : vector<16xi32> to vector<1xi32>
      %parallel_loop3A_26 = vector.extract %parallel_loop3A_25[0] : i32 from vector<1xi32>
      %parallel_loop3A_27 = arith.constant 16 : i32
      %parallel_loop3A_28 = arith.muli %parallel_loop3A_9, %parallel_loop3A_27 : i32
      %parallel_loop3A_29 = arith.addi %mul3A_2, %parallel_loop3A_28 : i32
      %parallel_loop3A_30 = arith.constant 1 : i32
      %parallel_loop3A_31 = arith.addi %parallel_loop3A_29, %parallel_loop3A_30 : i32
      %parallel_loop3A_32 = arith.constant 0 : i32
      %parallel_loop3A_33 = tpu.memref_slice %arg4[%parallel_loop3A_31, %parallel_loop3A_32] : memref<16384x64xf32, #tpu.memory_space<hbm>> -> memref<1x64xf32, #tpu.memory_space<hbm>>
      %parallel_loop3A_34 = arith.constant 0 : i32
      %parallel_loop3A_35 = tpu.memref_slice %arg3[%parallel_loop3A_26, %parallel_loop3A_34] : memref<1000000x64xf32, #tpu.memory_space<hbm>> -> memref<1x64xf32, #tpu.memory_space<hbm>>
      tpu.enqueue_dma source(%parallel_loop3A_35 : memref<1x64xf32, #tpu.memory_space<hbm>>) target(%parallel_loop3A_33 : memref<1x64xf32, #tpu.memory_space<hbm>>) target_semaphore(%arg6 : memref<!tpu.dma_semaphore, #tpu.memory_space<semaphore_mem>>)
      %parallel_loop3A_36 = vector.extract_strided_slice %parallel_loop3A_13 {offsets = [2], sizes = [1], strides = [1]} : vector<16xi32> to vector<1xi32>
      %parallel_loop3A_37 = vector.extract %parallel_loop3A_36[0] : i32 from vector<1xi32>
      %parallel_loop3A_38 = arith.constant 16 : i32
      %parallel_loop3A_39 = arith.muli %parallel_loop3A_9, %parallel_loop3A_38 : i32
      %parallel_loop3A_40 = arith.addi %mul3A_2, %parallel_loop3A_39 : i32
      %parallel_loop3A_41 = arith.constant 2 : i32
      %parallel_loop3A_42 = arith.addi %parallel_loop3A_40, %parallel_loop3A_41 : i32
      %parallel_loop3A_43 = arith.constant 0 : i32
      %parallel_loop3A_44 = tpu.memref_slice %arg4[%parallel_loop3A_42, %parallel_loop3A_43] : memref<16384x64xf32, #tpu.memory_space<hbm>> -> memref<1x64xf32, #tpu.memory_space<hbm>>
      %parallel_loop3A_45 = arith.constant 0 : i32
      %parallel_loop3A_46 = tpu.memref_slice %arg3[%parallel_loop3A_37, %parallel_loop3A_45] : memref<1000000x64xf32, #tpu.memory_space<hbm>> -> memref<1x64xf32, #tpu.memory_space<hbm>>
      tpu.enqueue_dma source(%parallel_loop3A_46 : memref<1x64xf32, #tpu.memory_space<hbm>>) target(%parallel_loop3A_44 : memref<1x64xf32, #tpu.memory_space<hbm>>) target_semaphore(%arg6 : memref<!tpu.dma_semaphore, #tpu.memory_space<semaphore_mem>>)
      %parallel_loop3A_47 = vector.extract_strided_slice %parallel_loop3A_13 {offsets = [3], sizes = [1], strides = [1]} : vector<16xi32> to vector<1xi32>
      %parallel_loop3A_48 = vector.extract %parallel_loop3A_47[0] : i32 from vector<1xi32>
      %parallel_loop3A_49 = arith.constant 16 : i32
      %parallel_loop3A_50 = arith.muli %parallel_loop3A_9, %parallel_loop3A_49 : i32
      %parallel_loop3A_51 = arith.addi %mul3A_2, %parallel_loop3A_50 : i32
      %parallel_loop3A_52 = arith.constant 3 : i32
      %parallel_loop3A_53 = arith.addi %parallel_loop3A_51, %parallel_loop3A_52 : i32
      %parallel_loop3A_54 = arith.constant 0 : i32
      %parallel_loop3A_55 = tpu.memref_slice %arg4[%parallel_loop3A_53, %parallel_loop3A_54] : memref<16384x64xf32, #tpu.memory_space<hbm>> -> memref<1x64xf32, #tpu.memory_space<hbm>>
      %parallel_loop3A_56 = arith.constant 0 : i32
      %parallel_loop3A_57 = tpu.memref_slice %arg3[%parallel_loop3A_48, %parallel_loop3A_56] : memref<1000000x64xf32, #tpu.memory_space<hbm>> -> memref<1x64xf32, #tpu.memory_space<hbm>>
      tpu.enqueue_dma source(%parallel_loop3A_57 : memref<1x64xf32, #tpu.memory_space<hbm>>) target(%parallel_loop3A_55 : memref<1x64xf32, #tpu.memory_space<hbm>>) target_semaphore(%arg6 : memref<!tpu.dma_semaphore, #tpu.memory_space<semaphore_mem>>)
      %parallel_loop3A_58 = vector.extract_strided_slice %parallel_loop3A_13 {offsets = [4], sizes = [1], strides = [1]} : vector<16xi32> to vector<1xi32>
      %parallel_loop3A_59 = vector.extract %parallel_loop3A_58[0] : i32 from vector<1xi32>
      %parallel_loop3A_60 = arith.constant 16 : i32
      %parallel_loop3A_61 = arith.muli %parallel_loop3A_9, %parallel_loop3A_60 : i32
      %parallel_loop3A_62 = arith.addi %mul3A_2, %parallel_loop3A_61 : i32
      %parallel_loop3A_63 = arith.constant 4 : i32
      %parallel_loop3A_64 = arith.addi %parallel_loop3A_62, %parallel_loop3A_63 : i32
      %parallel_loop3A_65 = arith.constant 0 : i32
      %parallel_loop3A_66 = tpu.memref_slice %arg4[%parallel_loop3A_64, %parallel_loop3A_65] : memref<16384x64xf32, #tpu.memory_space<hbm>> -> memref<1x64xf32, #tpu.memory_space<hbm>>
      %parallel_loop3A_67 = arith.constant 0 : i32
      %parallel_loop3A_68 = tpu.memref_slice %arg3[%parallel_loop3A_59, %parallel_loop3A_67] : memref<1000000x64xf32, #tpu.memory_space<hbm>> -> memref<1x64xf32, #tpu.memory_space<hbm>>
      tpu.enqueue_dma source(%parallel_loop3A_68 : memref<1x64xf32, #tpu.memory_space<hbm>>) target(%parallel_loop3A_66 : memref<1x64xf32, #tpu.memory_space<hbm>>) target_semaphore(%arg6 : memref<!tpu.dma_semaphore, #tpu.memory_space<semaphore_mem>>)
      %parallel_loop3A_69 = vector.extract_strided_slice %parallel_loop3A_13 {offsets = [5], sizes = [1], strides = [1]} : vector<16xi32> to vector<1xi32>
      %parallel_loop3A_70 = vector.extract %parallel_loop3A_69[0] : i32 from vector<1xi32>
      %parallel_loop3A_71 = arith.constant 16 : i32
      %parallel_loop3A_72 = arith.muli %parallel_loop3A_9, %parallel_loop3A_71 : i32
      %parallel_loop3A_73 = arith.addi %mul3A_2, %parallel_loop3A_72 : i32
      %parallel_loop3A_74 = arith.constant 5 : i32
      %parallel_loop3A_75 = arith.addi %parallel_loop3A_73, %parallel_loop3A_74 : i32
      %parallel_loop3A_76 = arith.constant 0 : i32
      %parallel_loop3A_77 = tpu.memref_slice %arg4[%parallel_loop3A_75, %parallel_loop3A_76] : memref<16384x64xf32, #tpu.memory_space<hbm>> -> memref<1x64xf32, #tpu.memory_space<hbm>>
      %parallel_loop3A_78 = arith.constant 0 : i32
      %parallel_loop3A_79 = tpu.memref_slice %arg3[%parallel_loop3A_70, %parallel_loop3A_78] : memref<1000000x64xf32, #tpu.memory_space<hbm>> -> memref<1x64xf32, #tpu.memory_space<hbm>>
      tpu.enqueue_dma source(%parallel_loop3A_79 : memref<1x64xf32, #tpu.memory_space<hbm>>) target(%parallel_loop3A_77 : memref<1x64xf32, #tpu.memory_space<hbm>>) target_semaphore(%arg6 : memref<!tpu.dma_semaphore, #tpu.memory_space<semaphore_mem>>)
      %parallel_loop3A_80 = vector.extract_strided_slice %parallel_loop3A_13 {offsets = [6], sizes = [1], strides = [1]} : vector<16xi32> to vector<1xi32>
      %parallel_loop3A_81 = vector.extract %parallel_loop3A_80[0] : i32 from vector<1xi32>
      %parallel_loop3A_82 = arith.constant 16 : i32
      %parallel_loop3A_83 = arith.muli %parallel_loop3A_9, %parallel_loop3A_82 : i32
      %parallel_loop3A_84 = arith.addi %mul3A_2, %parallel_loop3A_83 : i32
      %parallel_loop3A_85 = arith.constant 6 : i32
      %parallel_loop3A_86 = arith.addi %parallel_loop3A_84, %parallel_loop3A_85 : i32
      %parallel_loop3A_87 = arith.constant 0 : i32
      %parallel_loop3A_88 = tpu.memref_slice %arg4[%parallel_loop3A_86, %parallel_loop3A_87] : memref<16384x64xf32, #tpu.memory_space<hbm>> -> memref<1x64xf32, #tpu.memory_space<hbm>>
      %parallel_loop3A_89 = arith.constant 0 : i32
      %parallel_loop3A_90 = tpu.memref_slice %arg3[%parallel_loop3A_81, %parallel_loop3A_89] : memref<1000000x64xf32, #tpu.memory_space<hbm>> -> memref<1x64xf32, #tpu.memory_space<hbm>>
      tpu.enqueue_dma source(%parallel_loop3A_90 : memref<1x64xf32, #tpu.memory_space<hbm>>) target(%parallel_loop3A_88 : memref<1x64xf32, #tpu.memory_space<hbm>>) target_semaphore(%arg6 : memref<!tpu.dma_semaphore, #tpu.memory_space<semaphore_mem>>)
      %parallel_loop3A_91 = vector.extract_strided_slice %parallel_loop3A_13 {offsets = [7], sizes = [1], strides = [1]} : vector<16xi32> to vector<1xi32>
      %parallel_loop3A_92 = vector.extract %parallel_loop3A_91[0] : i32 from vector<1xi32>
      %parallel_loop3A_93 = arith.constant 16 : i32
      %parallel_loop3A_94 = arith.muli %parallel_loop3A_9, %parallel_loop3A_93 : i32
      %parallel_loop3A_95 = arith.addi %mul3A_2, %parallel_loop3A_94 : i32
      %parallel_loop3A_96 = arith.constant 7 : i32
      %parallel_loop3A_97 = arith.addi %parallel_loop3A_95, %parallel_loop3A_96 : i32
      %parallel_loop3A_98 = arith.constant 0 : i32
      %parallel_loop3A_99 = tpu.memref_slice %arg4[%parallel_loop3A_97, %parallel_loop3A_98] : memref<16384x64xf32, #tpu.memory_space<hbm>> -> memref<1x64xf32, #tpu.memory_space<hbm>>
      %parallel_loop3A_100 = arith.constant 0 : i32
      %parallel_loop3A_101 = tpu.memref_slice %arg3[%parallel_loop3A_92, %parallel_loop3A_100] : memref<1000000x64xf32, #tpu.memory_space<hbm>> -> memref<1x64xf32, #tpu.memory_space<hbm>>
      tpu.enqueue_dma source(%parallel_loop3A_101 : memref<1x64xf32, #tpu.memory_space<hbm>>) target(%parallel_loop3A_99 : memref<1x64xf32, #tpu.memory_space<hbm>>) target_semaphore(%arg6 : memref<!tpu.dma_semaphore, #tpu.memory_space<semaphore_mem>>)
      %parallel_loop3A_102 = vector.extract_strided_slice %parallel_loop3A_13 {offsets = [8], sizes = [1], strides = [1]} : vector<16xi32> to vector<1xi32>
      %parallel_loop3A_103 = vector.extract %parallel_loop3A_102[0] : i32 from vector<1xi32>
      %parallel_loop3A_104 = arith.constant 16 : i32
      %parallel_loop3A_105 = arith.muli %parallel_loop3A_9, %parallel_loop3A_104 : i32
      %parallel_loop3A_106 = arith.addi %mul3A_2, %parallel_loop3A_105 : i32
      %parallel_loop3A_107 = arith.constant 8 : i32
      %parallel_loop3A_108 = arith.addi %parallel_loop3A_106, %parallel_loop3A_107 : i32
      %parallel_loop3A_109 = arith.constant 0 : i32
      %parallel_loop3A_110 = tpu.memref_slice %arg4[%parallel_loop3A_108, %parallel_loop3A_109] : memref<16384x64xf32, #tpu.memory_space<hbm>> -> memref<1x64xf32, #tpu.memory_space<hbm>>
      %parallel_loop3A_111 = arith.constant 0 : i32
      %parallel_loop3A_112 = tpu.memref_slice %arg3[%parallel_loop3A_103, %parallel_loop3A_111] : memref<1000000x64xf32, #tpu.memory_space<hbm>> -> memref<1x64xf32, #tpu.memory_space<hbm>>
      tpu.enqueue_dma source(%parallel_loop3A_112 : memref<1x64xf32, #tpu.memory_space<hbm>>) target(%parallel_loop3A_110 : memref<1x64xf32, #tpu.memory_space<hbm>>) target_semaphore(%arg6 : memref<!tpu.dma_semaphore, #tpu.memory_space<semaphore_mem>>)
      %parallel_loop3A_113 = vector.extract_strided_slice %parallel_loop3A_13 {offsets = [9], sizes = [1], strides = [1]} : vector<16xi32> to vector<1xi32>
      %parallel_loop3A_114 = vector.extract %parallel_loop3A_113[0] : i32 from vector<1xi32>
      %parallel_loop3A_115 = arith.constant 16 : i32
      %parallel_loop3A_116 = arith.muli %parallel_loop3A_9, %parallel_loop3A_115 : i32
      %parallel_loop3A_117 = arith.addi %mul3A_2, %parallel_loop3A_116 : i32
      %parallel_loop3A_118 = arith.constant 9 : i32
      %parallel_loop3A_119 = arith.addi %parallel_loop3A_117, %parallel_loop3A_118 : i32
      %parallel_loop3A_120 = arith.constant 0 : i32
      %parallel_loop3A_121 = tpu.memref_slice %arg4[%parallel_loop3A_119, %parallel_loop3A_120] : memref<16384x64xf32, #tpu.memory_space<hbm>> -> memref<1x64xf32, #tpu.memory_space<hbm>>
      %parallel_loop3A_122 = arith.constant 0 : i32
      %parallel_loop3A_123 = tpu.memref_slice %arg3[%parallel_loop3A_114, %parallel_loop3A_122] : memref<1000000x64xf32, #tpu.memory_space<hbm>> -> memref<1x64xf32, #tpu.memory_space<hbm>>
      tpu.enqueue_dma source(%parallel_loop3A_123 : memref<1x64xf32, #tpu.memory_space<hbm>>) target(%parallel_loop3A_121 : memref<1x64xf32, #tpu.memory_space<hbm>>) target_semaphore(%arg6 : memref<!tpu.dma_semaphore, #tpu.memory_space<semaphore_mem>>)
      %parallel_loop3A_124 = vector.extract_strided_slice %parallel_loop3A_13 {offsets = [10], sizes = [1], strides = [1]} : vector<16xi32> to vector<1xi32>
      %parallel_loop3A_125 = vector.extract %parallel_loop3A_124[0] : i32 from vector<1xi32>
      %parallel_loop3A_126 = arith.constant 16 : i32
      %parallel_loop3A_127 = arith.muli %parallel_loop3A_9, %parallel_loop3A_126 : i32
      %parallel_loop3A_128 = arith.addi %mul3A_2, %parallel_loop3A_127 : i32
      %parallel_loop3A_129 = arith.constant 10 : i32
      %parallel_loop3A_130 = arith.addi %parallel_loop3A_128, %parallel_loop3A_129 : i32
      %parallel_loop3A_131 = arith.constant 0 : i32
      %parallel_loop3A_132 = tpu.memref_slice %arg4[%parallel_loop3A_130, %parallel_loop3A_131] : memref<16384x64xf32, #tpu.memory_space<hbm>> -> memref<1x64xf32, #tpu.memory_space<hbm>>
      %parallel_loop3A_133 = arith.constant 0 : i32
      %parallel_loop3A_134 = tpu.memref_slice %arg3[%parallel_loop3A_125, %parallel_loop3A_133] : memref<1000000x64xf32, #tpu.memory_space<hbm>> -> memref<1x64xf32, #tpu.memory_space<hbm>>
      tpu.enqueue_dma source(%parallel_loop3A_134 : memref<1x64xf32, #tpu.memory_space<hbm>>) target(%parallel_loop3A_132 : memref<1x64xf32, #tpu.memory_space<hbm>>) target_semaphore(%arg6 : memref<!tpu.dma_semaphore, #tpu.memory_space<semaphore_mem>>)
      %parallel_loop3A_135 = vector.extract_strided_slice %parallel_loop3A_13 {offsets = [11], sizes = [1], strides = [1]} : vector<16xi32> to vector<1xi32>
      %parallel_loop3A_136 = vector.extract %parallel_loop3A_135[0] : i32 from vector<1xi32>
      %parallel_loop3A_137 = arith.constant 16 : i32
      %parallel_loop3A_138 = arith.muli %parallel_loop3A_9, %parallel_loop3A_137 : i32
      %parallel_loop3A_139 = arith.addi %mul3A_2, %parallel_loop3A_138 : i32
      %parallel_loop3A_140 = arith.constant 11 : i32
      %parallel_loop3A_141 = arith.addi %parallel_loop3A_139, %parallel_loop3A_140 : i32
      %parallel_loop3A_142 = arith.constant 0 : i32
      %parallel_loop3A_143 = tpu.memref_slice %arg4[%parallel_loop3A_141, %parallel_loop3A_142] : memref<16384x64xf32, #tpu.memory_space<hbm>> -> memref<1x64xf32, #tpu.memory_space<hbm>>
      %parallel_loop3A_144 = arith.constant 0 : i32
      %parallel_loop3A_145 = tpu.memref_slice %arg3[%parallel_loop3A_136, %parallel_loop3A_144] : memref<1000000x64xf32, #tpu.memory_space<hbm>> -> memref<1x64xf32, #tpu.memory_space<hbm>>
      tpu.enqueue_dma source(%parallel_loop3A_145 : memref<1x64xf32, #tpu.memory_space<hbm>>) target(%parallel_loop3A_143 : memref<1x64xf32, #tpu.memory_space<hbm>>) target_semaphore(%arg6 : memref<!tpu.dma_semaphore, #tpu.memory_space<semaphore_mem>>)
      %parallel_loop3A_146 = vector.extract_strided_slice %parallel_loop3A_13 {offsets = [12], sizes = [1], strides = [1]} : vector<16xi32> to vector<1xi32>
      %parallel_loop3A_147 = vector.extract %parallel_loop3A_146[0] : i32 from vector<1xi32>
      %parallel_loop3A_148 = arith.constant 16 : i32
      %parallel_loop3A_149 = arith.muli %parallel_loop3A_9, %parallel_loop3A_148 : i32
      %parallel_loop3A_150 = arith.addi %mul3A_2, %parallel_loop3A_149 : i32
      %parallel_loop3A_151 = arith.constant 12 : i32
      %parallel_loop3A_152 = arith.addi %parallel_loop3A_150, %parallel_loop3A_151 : i32
      %parallel_loop3A_153 = arith.constant 0 : i32
      %parallel_loop3A_154 = tpu.memref_slice %arg4[%parallel_loop3A_152, %parallel_loop3A_153] : memref<16384x64xf32, #tpu.memory_space<hbm>> -> memref<1x64xf32, #tpu.memory_space<hbm>>
      %parallel_loop3A_155 = arith.constant 0 : i32
      %parallel_loop3A_156 = tpu.memref_slice %arg3[%parallel_loop3A_147, %parallel_loop3A_155] : memref<1000000x64xf32, #tpu.memory_space<hbm>> -> memref<1x64xf32, #tpu.memory_space<hbm>>
      tpu.enqueue_dma source(%parallel_loop3A_156 : memref<1x64xf32, #tpu.memory_space<hbm>>) target(%parallel_loop3A_154 : memref<1x64xf32, #tpu.memory_space<hbm>>) target_semaphore(%arg6 : memref<!tpu.dma_semaphore, #tpu.memory_space<semaphore_mem>>)
      %parallel_loop3A_157 = vector.extract_strided_slice %parallel_loop3A_13 {offsets = [13], sizes = [1], strides = [1]} : vector<16xi32> to vector<1xi32>
      %parallel_loop3A_158 = vector.extract %parallel_loop3A_157[0] : i32 from vector<1xi32>
      %parallel_loop3A_159 = arith.constant 16 : i32
      %parallel_loop3A_160 = arith.muli %parallel_loop3A_9, %parallel_loop3A_159 : i32
      %parallel_loop3A_161 = arith.addi %mul3A_2, %parallel_loop3A_160 : i32
      %parallel_loop3A_162 = arith.constant 13 : i32
      %parallel_loop3A_163 = arith.addi %parallel_loop3A_161, %parallel_loop3A_162 : i32
      %parallel_loop3A_164 = arith.constant 0 : i32
      %parallel_loop3A_165 = tpu.memref_slice %arg4[%parallel_loop3A_163, %parallel_loop3A_164] : memref<16384x64xf32, #tpu.memory_space<hbm>> -> memref<1x64xf32, #tpu.memory_space<hbm>>
      %parallel_loop3A_166 = arith.constant 0 : i32
      %parallel_loop3A_167 = tpu.memref_slice %arg3[%parallel_loop3A_158, %parallel_loop3A_166] : memref<1000000x64xf32, #tpu.memory_space<hbm>> -> memref<1x64xf32, #tpu.memory_space<hbm>>
      tpu.enqueue_dma source(%parallel_loop3A_167 : memref<1x64xf32, #tpu.memory_space<hbm>>) target(%parallel_loop3A_165 : memref<1x64xf32, #tpu.memory_space<hbm>>) target_semaphore(%arg6 : memref<!tpu.dma_semaphore, #tpu.memory_space<semaphore_mem>>)
      %parallel_loop3A_168 = vector.extract_strided_slice %parallel_loop3A_13 {offsets = [14], sizes = [1], strides = [1]} : vector<16xi32> to vector<1xi32>
      %parallel_loop3A_169 = vector.extract %parallel_loop3A_168[0] : i32 from vector<1xi32>
      %parallel_loop3A_170 = arith.constant 16 : i32
      %parallel_loop3A_171 = arith.muli %parallel_loop3A_9, %parallel_loop3A_170 : i32
      %parallel_loop3A_172 = arith.addi %mul3A_2, %parallel_loop3A_171 : i32
      %parallel_loop3A_173 = arith.constant 14 : i32
      %parallel_loop3A_174 = arith.addi %parallel_loop3A_172, %parallel_loop3A_173 : i32
      %parallel_loop3A_175 = arith.constant 0 : i32
      %parallel_loop3A_176 = tpu.memref_slice %arg4[%parallel_loop3A_174, %parallel_loop3A_175] : memref<16384x64xf32, #tpu.memory_space<hbm>> -> memref<1x64xf32, #tpu.memory_space<hbm>>
      %parallel_loop3A_177 = arith.constant 0 : i32
      %parallel_loop3A_178 = tpu.memref_slice %arg3[%parallel_loop3A_169, %parallel_loop3A_177] : memref<1000000x64xf32, #tpu.memory_space<hbm>> -> memref<1x64xf32, #tpu.memory_space<hbm>>
      tpu.enqueue_dma source(%parallel_loop3A_178 : memref<1x64xf32, #tpu.memory_space<hbm>>) target(%parallel_loop3A_176 : memref<1x64xf32, #tpu.memory_space<hbm>>) target_semaphore(%arg6 : memref<!tpu.dma_semaphore, #tpu.memory_space<semaphore_mem>>)
      %parallel_loop3A_179 = vector.extract_strided_slice %parallel_loop3A_13 {offsets = [15], sizes = [1], strides = [1]} : vector<16xi32> to vector<1xi32>
      %parallel_loop3A_180 = vector.extract %parallel_loop3A_179[0] : i32 from vector<1xi32>
      %parallel_loop3A_181 = arith.constant 16 : i32
      %parallel_loop3A_182 = arith.muli %parallel_loop3A_9, %parallel_loop3A_181 : i32
      %parallel_loop3A_183 = arith.addi %mul3A_2, %parallel_loop3A_182 : i32
      %parallel_loop3A_184 = arith.constant 15 : i32
      %parallel_loop3A_185 = arith.addi %parallel_loop3A_183, %parallel_loop3A_184 : i32
      %parallel_loop3A_186 = arith.constant 0 : i32
      %parallel_loop3A_187 = tpu.memref_slice %arg4[%parallel_loop3A_185, %parallel_loop3A_186] : memref<16384x64xf32, #tpu.memory_space<hbm>> -> memref<1x64xf32, #tpu.memory_space<hbm>>
      %parallel_loop3A_188 = arith.constant 0 : i32
      %parallel_loop3A_189 = tpu.memref_slice %arg3[%parallel_loop3A_180, %parallel_loop3A_188] : memref<1000000x64xf32, #tpu.memory_space<hbm>> -> memref<1x64xf32, #tpu.memory_space<hbm>>
      tpu.enqueue_dma source(%parallel_loop3A_189 : memref<1x64xf32, #tpu.memory_space<hbm>>) target(%parallel_loop3A_187 : memref<1x64xf32, #tpu.memory_space<hbm>>) target_semaphore(%arg6 : memref<!tpu.dma_semaphore, #tpu.memory_space<semaphore_mem>>)
    } {sc.loop_unroll_factor = 1 : i64, sc.parallel_access}
    %dma_wait3A = arith.constant 0 : i32
    %dma_wait3A_5 = tpu.memref_slice %arg4[%mul3A_2, %dma_wait3A] : memref<16384x64xf32, #tpu.memory_space<hbm>> -> memref<512x64xf32, #tpu.memory_space<hbm>>
    %dma_wait3A_6 = arith.constant 0 : i32
    %dma_wait3A_7 = arith.constant 0 : i32
    %dma_wait3A_8 = tpu.memref_slice %arg3[%dma_wait3A_6, %dma_wait3A_7] : memref<1000000x64xf32, #tpu.memory_space<hbm>> -> memref<512x64xf32, #tpu.memory_space<hbm>>
    tpu.wait_dma2 semaphore(%arg6 : memref<!tpu.dma_semaphore, #tpu.memory_space<semaphore_mem>>) src(%dma_wait3A_8 : memref<512x64xf32, #tpu.memory_space<hbm>>) dst(%dma_wait3A_5 : memref<512x64xf32, #tpu.memory_space<hbm>>)
    return
  }
}

module attributes {stable_mosaic.version = 14 : i64} {
  func.func @_ffn_body(%arg0: i32, %arg1: memref<1024x64xf32, #tpu.memory_space<vmem>>, %arg2: memref<1024x128xf32, #tpu.memory_space<vmem>>, %arg3: memref<64x256xf32, #tpu.memory_space<vmem>>, %arg4: memref<128x256xf32, #tpu.memory_space<vmem>>, %arg5: memref<1x256xf32, #tpu.memory_space<vmem>>, %arg6: memref<256x128xf32, #tpu.memory_space<vmem>>, %arg7: memref<1x128xf32, #tpu.memory_space<vmem>>, %arg8: memref<1024x128xf32, #tpu.memory_space<vmem>>) attributes {dimension_semantics = [#tpu.dimension_semantics<arbitrary>], iteration_bounds = array<i64: 16>, scalar_prefetch = 0 : i64, scratch_operands = 0 : i64, tpu.core_type = #tpu.core_type<tc>, window_params = [{transform_indices = @transform_0, window_bounds = array<i64: 1024, 64>}, {transform_indices = @transform_1, window_bounds = array<i64: 1024, 128>}, {pipeline_mode = #tpu.pipeline_mode<synchronous>, transform_indices = @transform_2, window_bounds = array<i64: 64, 256>}, {pipeline_mode = #tpu.pipeline_mode<synchronous>, transform_indices = @transform_3, window_bounds = array<i64: 128, 256>}, {pipeline_mode = #tpu.pipeline_mode<synchronous>, transform_indices = @transform_4, window_bounds = array<i64: 1, 256>}, {pipeline_mode = #tpu.pipeline_mode<synchronous>, transform_indices = @transform_5, window_bounds = array<i64: 256, 128>}, {pipeline_mode = #tpu.pipeline_mode<synchronous>, transform_indices = @transform_6, window_bounds = array<i64: 1, 128>}, {transform_indices = @transform_7, window_bounds = array<i64: 1024, 128>}]} {
    %get3A = arith.constant 0 : index
    %get3A_0 = arith.constant 0 : index
    %get3A_1 = vector.load %arg1[%get3A, %get3A_0] : memref<1024x64xf32, #tpu.memory_space<vmem>>, vector<1024x64xf32>
    %get3A_2 = arith.constant 0 : index
    %get3A_3 = arith.constant 0 : index
    %get3A_4 = vector.load %arg3[%get3A_2, %get3A_3] : memref<64x256xf32, #tpu.memory_space<vmem>>, vector<64x256xf32>
    %dot_general3A = arith.constant dense<0.000000e+00> : vector<1024x256xf32>
    %dot_general3A_5 = tpu.matmul %get3A_1, %get3A_4, %dot_general3A {dimension_numbers = #tpu.dot_dimension_numbers<[1], [0], [0], [1], [0, 0, 1, 1], [], []>, transpose_lhs_hint = false} : vector<1024x64xf32>, vector<64x256xf32>, vector<1024x256xf32> -> vector<1024x256xf32>
    %get3A_6 = arith.constant 0 : index
    %get3A_7 = arith.constant 0 : index
    %get3A_8 = vector.load %arg2[%get3A_6, %get3A_7] : memref<1024x128xf32, #tpu.memory_space<vmem>>, vector<1024x128xf32>
    %get3A_9 = arith.constant 0 : index
    %get3A_10 = arith.constant 0 : index
    %get3A_11 = vector.load %arg4[%get3A_9, %get3A_10] : memref<128x256xf32, #tpu.memory_space<vmem>>, vector<128x256xf32>
    %dot_general3A_12 = arith.constant dense<0.000000e+00> : vector<1024x256xf32>
    %dot_general3A_13 = tpu.matmul %get3A_8, %get3A_11, %dot_general3A_12 {dimension_numbers = #tpu.dot_dimension_numbers<[1], [0], [0], [1], [0, 0, 1, 1], [], []>, transpose_lhs_hint = false} : vector<1024x128xf32>, vector<128x256xf32>, vector<1024x256xf32> -> vector<1024x256xf32>
    %add3A = arith.addf %dot_general3A_5, %dot_general3A_13 : vector<1024x256xf32>
    %get3A_14 = arith.constant 0 : index
    %get3A_15 = arith.constant 0 : index
    %get3A_16 = vector.load %arg5[%get3A_14, %get3A_15] : memref<1x256xf32, #tpu.memory_space<vmem>>, vector<1x256xf32>
    %add3A_17 = vector.broadcast %get3A_16 : vector<1x256xf32> to vector<1024x256xf32>
    %add3A_18 = arith.addf %add3A, %add3A_17 : vector<1024x256xf32>
    %max3A = arith.constant 0.000000e+00 : f32
    %max3A_19 = vector.broadcast %max3A : f32 to vector<1024x256xf32>
    %max3A_20 = arith.maximumf %add3A_18, %max3A_19 : vector<1024x256xf32>
    %get3A_21 = arith.constant 0 : index
    %get3A_22 = arith.constant 0 : index
    %get3A_23 = vector.load %arg6[%get3A_21, %get3A_22] : memref<256x128xf32, #tpu.memory_space<vmem>>, vector<256x128xf32>
    %dot_general3A_24 = arith.constant dense<0.000000e+00> : vector<1024x128xf32>
    %dot_general3A_25 = tpu.matmul %max3A_20, %get3A_23, %dot_general3A_24 {dimension_numbers = #tpu.dot_dimension_numbers<[1], [0], [0], [1], [0, 0, 1, 1], [], []>, transpose_lhs_hint = false} : vector<1024x256xf32>, vector<256x128xf32>, vector<1024x128xf32> -> vector<1024x128xf32>
    %get3A_26 = arith.constant 0 : index
    %get3A_27 = arith.constant 0 : index
    %get3A_28 = vector.load %arg7[%get3A_26, %get3A_27] : memref<1x128xf32, #tpu.memory_space<vmem>>, vector<1x128xf32>
    %add3A_29 = vector.broadcast %get3A_28 : vector<1x128xf32> to vector<1024x128xf32>
    %add3A_30 = arith.addf %dot_general3A_25, %add3A_29 : vector<1024x128xf32>
    %swap3A = arith.constant 0 : index
    %swap3A_31 = arith.constant 0 : index
    %swap3A_32 = vector.load %arg8[%swap3A, %swap3A_31] : memref<1024x128xf32, #tpu.memory_space<vmem>>, vector<1024x128xf32>
    tpu.vector_store %arg8[%swap3A, %swap3A_31], %add3A_30 {strides = array<i32>} : memref<1024x128xf32, #tpu.memory_space<vmem>>, vector<1024x128xf32>,
    return
  }
  func.func @transform_0(%arg0: i32) -> (i32, i32) {
    %c0_i32 = arith.constant 0 : i32
    %c0_i32_0 = arith.constant 0 : i32
    return %arg0, %c0_i32 : i32, i32
  }
  func.func @transform_1(%arg0: i32) -> (i32, i32) {
    %c0_i32 = arith.constant 0 : i32
    %c0_i32_0 = arith.constant 0 : i32
    return %arg0, %c0_i32 : i32, i32
  }
  func.func @transform_2(%arg0: i32) -> (i32, i32) {
    %c0_i32 = arith.constant 0 : i32
    %c0_i32_0 = arith.constant 0 : i32
    %c0_i32_1 = arith.constant 0 : i32
    return %c0_i32, %c0_i32_0 : i32, i32
  }
  func.func @transform_3(%arg0: i32) -> (i32, i32) {
    %c0_i32 = arith.constant 0 : i32
    %c0_i32_0 = arith.constant 0 : i32
    %c0_i32_1 = arith.constant 0 : i32
    return %c0_i32, %c0_i32_0 : i32, i32
  }
  func.func @transform_4(%arg0: i32) -> (i32, i32) {
    %c0_i32 = arith.constant 0 : i32
    %c0_i32_0 = arith.constant 0 : i32
    %c0_i32_1 = arith.constant 0 : i32
    return %c0_i32, %c0_i32_0 : i32, i32
  }
  func.func @transform_5(%arg0: i32) -> (i32, i32) {
    %c0_i32 = arith.constant 0 : i32
    %c0_i32_0 = arith.constant 0 : i32
    %c0_i32_1 = arith.constant 0 : i32
    return %c0_i32, %c0_i32_0 : i32, i32
  }
  func.func @transform_6(%arg0: i32) -> (i32, i32) {
    %c0_i32 = arith.constant 0 : i32
    %c0_i32_0 = arith.constant 0 : i32
    %c0_i32_1 = arith.constant 0 : i32
    return %c0_i32, %c0_i32_0 : i32, i32
  }
  func.func @transform_7(%arg0: i32) -> (i32, i32) {
    %c0_i32 = arith.constant 0 : i32
    %c0_i32_0 = arith.constant 0 : i32
    return %arg0, %c0_i32 : i32, i32
  }
}

</mosaic_0001>

<sc_bundles>
// kernel: kernel.5.cloned.1.call-start
scs
__scs_entry_jumppad:
0x0: {  	(pc) =	sbr.rel $0x88, $3  }
0x1: {  	(tag) =	ssettag $0x0;
	lr =	simm.s32 $0x1  }
0x2: {  	[smem:$0x3F8B] =	sst lr;
	_ =	strace $0xD0000000  }
0x3: {  	_ = 	snop  }
0x4: {  	_ = 	snop  }
0x5: {  	_ = 	snop  }
0x6: {  	_ = 	snop  }
0x7: {  	_ = 	snop  }
__scs_overlays_trampoline_lowered:
0x8: {  	[smem:$0x3F9A] =	sst s0  }
0x9: {  	[smem:$0x3F9B] =	sst s1  }
0xa: {  	[smem:$0x3F9C] =	sst s2  }
0xb: {  	[smem:$0x3F9D] =	sst s3  }
0xc: {  	[smem:$0x3F9E] =	sst s4  }
0xd: {  	[smem:$0x3F9F] =	sst s5  }
0xe: {  	[smem:$0x3FA0] =	sst s6  }
0xf: {  	[smem:$0x3FA1] =	sst s7  }
0x10: {  	[smem:$0x3FA2] =	sst s8  }
0x11: {  	[smem:$0x3FA3] =	sst s9;
	s0 =	simm.s32 @!p0 $0x0  }
0x12: {  	s1 =	sld [smem:$0x3F89];
	s0 =	simm.s32 @p0 $0x1  }
0x13: {  	[smem:$0x3FA4] =	sst s0;
	s0 =	simm.s32 @!p1 $0x0  }
0x14: {  	s2 =	sld [smem:$0x3F88];
	s0 =	simm.s32 @p1 $0x1  }
0x15: {  	[smem:$0x3FA5] =	sst s0;
	s0 =	simm.s32 @!p2 $0x0  }
0x16: {  	s3 =	sld [smem:$0x3FDB];
	s0 =	simm.s32 @p2 $0x1  }
0x17: {  	s4 =	simm.s32 $0x1BF5;
	[smem:$0x3FA7] =	sst s0  }
0x18: {  	s0 =	sld [smem:$0x3F8A];
	_ =	swait.ge [sflag:s4], $0x0  }
0x19: {  	s7 =	sld [smem:$0x3F8B]  }
0x1a: {  	s8 =	sadd.s32 $0xFFFFE003, lr  }
0x1b: {  	s9 =	sadd.s32 $0xFFFFFEF7, lr;
	s5 =	simm.s32 $0xFFFFFFFF;
	p2 =	slt.u32 s8, $0xFFFFF086  }
0x1c: {  	p1 =	slt.u32 s9, $0xF7A;
	s5 =	simm.s32 @!p2 $0x0  }
0x1d: {  	s5 =	simm.s32 @p1 $0x1;
	p0 =	seq.s32 s7, s2  }
0x1e: {  	s7 =	smul.u32 @!p0 $0xF7A, s2;
	p2 =	seq.s32 @!p0 s5, $0x0  }
0x1f: {  	s9 =	smul.u32 $0xF7A, s1;
	s8 =	simm.s32 @!p0 $0x1BF5;
	p2 =	por !p2, p0  }
0x20: {  	[sflag:s8] =	ssyncset.s32 @!p0 $0xFFFFF086;
	s6 =	sadd.s32 @!p0 s3, s7;
	s7 =	simm.s32 @!p0 $0x108  }
0x21: {  	s3 =	sadd.s32 s3, s9;
	s6 =	sadd.s32 @!p0 $0x88, s6;
	s7 =	simm.s32 @p2 $0x1082  }
0x22: {  	[simem:s7], [sflag:s8] =	dma.local @!p0 [hbm:s6], $0xF7A  }
0x23: {  	s9 =	sor.u32 $0xD0000000, s2;
	s6 =	simm.s32 $0x108;
	_ =	swait.ge @!p0 [sflag:s8], $0x0  }
0x24: {  	s3 =	sadd.s32 $0x88, s3;
	s6 =	simm.s32 @!p1 $0x1082;
	[sflag:s4] =	ssyncset.s32 $0xFFFFF086  }
0x25: {  	[simem:s6], [sflag:s4] =	dma.local [hbm:s3], $0xF7A  }
0x26: {  	[smem:$0x3F8B] =	sst s1;
	(tag) =	ssettag s2;
	_ =	strace s9  }
0x27: {  	s1 =	sld [smem:$0x3F9B]  }
0x28: {  	s2 =	sld [smem:$0x3F9C]  }
0x29: {  	s4 =	sld [smem:$0x3F9E]  }
0x2a: {  	p0 =	seq.s32 s5, $0x0;
	s5 =	sld [smem:$0x3F9F]  }
0x2b: {  	s6 =	sld [smem:$0x3FA0]  }
0x2c: {  	s7 =	sld [smem:$0x3FA1]  }
0x2d: {  	s3 =	simm.s32 $0x108;
	s8 =	sld [smem:$0x3FA2]  }
0x2e: {  	s3 =	simm.s32 @!p0 $0x1082;
	s9 =	sld [smem:$0x3FA3]  }
0x2f: {  	lr =	sadd.s32 s0, s3;
	s0 =	sld [smem:$0x3F9A]  }
0x30: {  	s3 =	sld [smem:$0x3F9D]  }
0x31: {  	[smem:$0x3FA6] =	sst s10  }
0x32: {  	s10 =	sld [smem:$0x3FA4];
	_ =	sdelay $0x3  }
0x33: {  	p0 =	seq.s32 s10, $0x1;
	s10 =	sld [smem:$0x3FA6];
	_ =	sdelay $0x3  }
0x34: {  	[smem:$0x3FA6] =	sst s10  }
0x35: {  	s10 =	sld [smem:$0x3FA5];
	_ =	sdelay $0x3  }
0x36: {  	p1 =	seq.s32 s10, $0x1;
	s10 =	sld [smem:$0x3FA6];
	_ =	sdelay $0x3  }
0x37: {  	[smem:$0x3FA6] =	sst s10  }
0x38: {  	s10 =	sld [smem:$0x3FA7]  }
0x39: {  	_ = 	snop;
	(pc) =	sbr.ind lr, $3  }
0x3a: {  	_ = 	snop  }
0x3b: {  	_ = 	snop  }
0x3c: {  	p2 =	seq.s32 s10, $0x1;
	s10 =	sld [smem:$0x3FA6]  }
0x3d: {  	_ =	shalt  }
0x3e: {  	_ =	shalt  }
0x3f: {  	_ =	shalt  }
0x40: {  	_ =	shalt  }
0x41: {  	_ =	shalt  }
0x42: {  	_ =	shalt  }
0x43: {  	_ =	shalt  }
0x44: {  	_ =	shalt  }
0x45: {  	_ =	shalt  }
0x46: {  	_ =	shalt  }
0x47: {  	_ =	shalt  }
0x48: {  	_ =	shalt  }
0x49: {  	_ =	shalt  }
0x4a: {  	_ =	shalt  }
0x4b: {  	_ =	shalt  }
0x4c: {  	_ =	shalt  }
0x4d: {  	_ =	shalt  }
0x4e: {  	_ =	shalt  }
0x4f: {  	_ =	shalt  }
0x50: {  	_ =	shalt  }
0x51: {  	_ =	shalt  }
0x52: {  	_ =	shalt  }
0x53: {  	_ =	shalt  }
0x54: {  	_ =	shalt  }
0x55: {  	_ =	shalt  }
0x56: {  	_ =	shalt  }
0x57: {  	_ =	shalt  }
0x58: {  	_ =	shalt  }
0x59: {  	_ =	shalt  }
0x5a: {  	_ =	shalt  }
0x5b: {  	_ =	shalt  }
0x5c: {  	_ =	shalt  }
0x5d: {  	_ =	shalt  }
0x5e: {  	_ =	shalt  }
0x5f: {  	_ =	shalt  }
0x60: {  	_ =	shalt  }
0x61: {  	_ =	shalt  }
0x62: {  	_ =	shalt  }
0x63: {  	_ =	shalt  }
0x64: {  	_ =	shalt  }
0x65: {  	_ =	shalt  }
0x66: {  	_ =	shalt  }
0x67: {  	_ =	shalt  }
0x68: {  	_ =	shalt  }
0x69: {  	_ =	shalt  }
0x6a: {  	_ =	shalt  }
0x6b: {  	_ =	shalt  }
0x6c: {  	_ =	shalt  }
0x6d: {  	_ =	shalt  }
0x6e: {  	_ =	shalt  }
0x6f: {  	_ =	shalt  }
0x70: {  	_ =	shalt  }
0x71: {  	_ =	shalt  }
0x72: {  	_ =	shalt  }
0x73: {  	_ =	shalt  }
0x74: {  	_ =	shalt  }
0x75: {  	_ =	shalt  }
0x76: {  	_ =	shalt  }
0x77: {  	_ =	shalt  }
0x78: {  	_ =	shalt  }
0x79: {  	_ =	shalt  }
0x7a: {  	_ =	shalt  }
0x7b: {  	_ =	shalt  }
0x7c: {  	_ =	shalt  }
0x7d: {  	_ =	shalt  }
0x7e: {  	_ =	shalt  }
0x7f: {  	_ =	shalt  }
0x80: {  	_ =	shalt  }
0x81: {  	_ =	shalt  }
0x82: {  	_ =	shalt  }
0x83: {  	_ =	shalt  }
0x84: {  	_ =	shalt  }
0x85: {  	_ =	shalt  }
0x86: {  	_ =	shalt  }
0x87: {  	_ =	shalt  }
.Lfunc_end0:
.L_simem_size_0:
called_computation_lowered:
.L_overlay_start_0:
0x88: {  	s2 =	sld [smem:$0x3FD9]  }
0x89: {  	s3 =	sld [smem:$0x3FFE];
	_ =	sdelay $0x1  }
0x8a: {  	s1 =	srdreg.scid  }
0x8b: {  	s0 =	sand.u32 $0x1, s1  }
0x8c: {  	s17 =	sshll.u32 s0, $0xA;
	s2 =	sadd.s32 s3, s2  }
0x8d: {  	s2 =	sadd.s32 s2, s17  }
0x8e: {  	[smem:$0x3FB2] =	sst s2  }
0x8f: {  	_ = 	snop  }
0x90: {  	s4 =	sld [smem:$0x3FC8]  }
0x91: {  	s5 =	sld [smem:$0x3FC7]  }
0x92: {  	s6 =	sld [smem:$0x3FC6]  }
0x93: {  	s7 =	sld [smem:$0x3FC5]  }
0x94: {  	s8 =	sld [smem:$0x3FC4]  }
0x95: {  	s9 =	sld [smem:$0x3FC3]  }
0x96: {  	s10 =	sld [smem:$0x3FC2]  }
0x97: {  	s11 =	sld [smem:$0x3FC1]  }
0x98: {  	s18 =	sld [smem:$0x3FD0];
	(tm) =	ssettm $0x1  }
0x99: {  	s19 =	sld [smem:$0x3FFB];
	_ =	sdelay $0x3  }
0x9a: {  	_ =	strace s19  }
0x9b: {  	s2 =	sld [smem:$0x3FFC];
	_ =	sdelay $0x3  }
0x9c: {  	_ =	strace s2  }
0x9d: {  	s2 =	sld [smem:$0x3FFD];
	_ =	sdelay $0x3  }
0x9e: {  	_ =	strace s2  }
0x9f: {  	_ =	strace $0x8FFFFFFF  }
0xa0: {  	s20 =	sld [smem:$0x3FDB];
	_ =	sdelay $0x1  }
0xa1: {  	s12 =	simm.s32 $_scs_section_size  }
0xa2: {  	s13 =	simm.s32 $_size__tile_overlayer_lowered;
	s14 =	simm.s32 $_tile_overlayer_lowered  }
0xa3: {  	s15 =	simm.s32 $0x1BFF;
	s21 =	sshll.u32 s14, $0x1;
	s12 =	sadd.s32 s12, s20  }
0xa4: {  	s22 =	simm.s32 $0x0;
	s13 =	sshll.u32 s13, $0x1;
	s14 =	sadd.s32 s21, s12  }
0xa5: {  	[timem:s22], [sflag:s15] =	dma.local [hbm:s14], s13  }
0xa6: {  	_ =	swait.ge [sflag:s15], s13  }
0xa7: {  	s13 =	ssub.s32 $0x0, s13;
	[sflag:s15] =	ssyncset.done $0x0  }
0xa8: {  	[sflag:s15] =	ssyncadd.s32 s13;
	_ =	sdelay $0x1  }
0xa9: {  	s23 =	simm.s32 $0x1B8B  }
0xaa: {  	_ =	swait.ge [sflag:s23], $0x1  }
0xab: {  	[sflag:s23] =	ssyncset.done $0x0  }
0xac: {  	[sflag:s23] =	ssyncadd.s32 $0xFFFFFFFF  }
0xad: {  	s13 =	sld [smem:$0x0]  }
0xae: {  	s14 =	sand.u32 $0xFFFFFFFE, s1  }
0xaf: {  	p0 =	sne.s32 s1, s14  }
0xb0: {  	s14 =	sshll.u32 @p0 s14, $0xE  }
0xb1: {  	s14 =	sadd.s32 @p0 $0x11B8D, s14;
	s15 =	sshll.u32 @p0 s13, $0x11  }
0xb2: {  	s14 =	sor.u32 @p0 s15, s14  }
0xb3: {  	[sflag:s14] =	ssyncadd.remote.s32 @p0 $0x1;
	_ =	sdelay $0x1  }
0xb4: {  	s14 =	simm.s32 @p0 $0x1B8D  }
0xb5: {  	_ =	swait.eq @p0 [sflag:s14], $0x1  }
0xb6: {  	[sflag:s14] =	ssyncadd.s32 @p0 $0xFFFFFFFF  }
0xb7: {  	s15 =	sshll.u32 @!p0 s1, $0xE  }
0xb8: {  	s15 =	sor.u32 @!p0 $0x4000, s15;
	s14 =	simm.s32 @!p0 $0x1B8D  }
0xb9: {  	s13 =	sshll.u32 @!p0 s13, $0x11;
	s15 =	sadd.s32 @!p0 $0x11B8D, s15;
	_ =	swait.eq @!p0 [sflag:s14], $0x1  }
0xba: {  	s13 =	sor.u32 @!p0 s13, s15;
	[sflag:s14] =	ssyncadd.s32 @!p0 $0xFFFFFFFF  }
0xbb: {  	s25 =	simm.s32 $0x1B8E;
	s24 =	sld [smem:$0x3FFE];
	[sflag:s13] =	ssyncadd.remote.s32 @!p0 $0x1  }
0xbc: {  	s26 =	simm.s32 $execute0_lowered;
	[smem:$0x3FD2] =	sst s25  }
0xbd: {  	s14 =	sshll.u32 s26, $0x1;
	_ =	strace $0x80000049;
	[dreg:$0x1] =	wrdreg $0xFFFFFFFF  }
0xbe: {  	s28 =	simm.s32 $_size_execute0_lowered;
	s12 =	sadd.s32 s12, s14;
	[dreg:$0x0] =	wrdreg $0x0  }
0xbf: {  	s14 =	sshll.u32 s28, $0x1;
	[dreg:$0x2] =	wrdreg s12  }
0xc0: {  	[dreg:$0x3] =	wrdreg s14  }
0xc1: {  	[dreg:$0x4] =	wrdreg $0xC0  }
0xc2: {  	_ =	task [dreg:s22], $0x5FFFF  }
0xc3: {  	[dreg:$0x1] =	wrdreg $0xFFFFFFFF  }
0xc4: {  	[dreg:$0x0] =	wrdreg $0x60  }
0xc5: {  	[dreg:$0x2] =	wrdreg s4  }
0xc6: {  	[dreg:$0x3] =	wrdreg s5  }
0xc7: {  	[dreg:$0x4] =	wrdreg s6  }
0xc8: {  	[dreg:$0x5] =	wrdreg s7  }
0xc9: {  	[dreg:$0x6] =	wrdreg s8  }
0xca: {  	[dreg:$0x7] =	wrdreg s9  }
0xcb: {  	[dreg:$0x8] =	wrdreg s10  }
0xcc: {  	[dreg:$0x9] =	wrdreg s11  }
0xcd: {  	[dreg:$0xa] =	wrdreg s24  }
0xce: {  	[dreg:$0xb] =	wrdreg s18  }
0xcf: {  	[dreg:$0xc] =	wrdreg $0x9  }
0xd0: {  	_ =	task.clear_ibuf [dreg:s22], $0xDFFFF;
	_ =	strace $0x90000049  }
0xd1: {  	s29 =	simm.s32 $0x9;
	_ =	strace $0x8000004B  }
0xd2: {  	_ =	swait.ge [sflag:s29], $0x1  }
0xd3: {  	[sflag:s29] =	ssyncadd.s32 $0xFFFFFFFF  }
0xd4: {  	_ =	strace $0x9000004B  }
0xd5: {  	_ =	sfence  }
0xd6: {  	s30 =	sld [smem:$0x0];
	_ =	sdelay $0x2  }
0xd7: {  	s31 =	sshll.u32 s1, $0xD;
	s1 =	sshrl.u32 s1, $0x2  }
0xd8: {  	s4 =	sand.u32 $0x4000, s31;
	s1 =	sadd.s32 s1, s30  }
0xd9: {  	s0 =	sor.u32 s4, s0;
	s1 =	sshll.u32 s1, $0x11  }
0xda: {  	s0 =	sor.u32 s1, s0  }
0xdb: {  	s0 =	sadd.s32 $0x8F2B, s0  }
0xdc: {  	[sflag:s0] =	ssyncadd.remote.s32 $0x1  }
0xdd: {  	_ =	sfence.sel $0xFFFF  }
0xde: {  	[dreg:$0x0] =	wrdreg $0xFFFFFFFF;
	(pc) =	sbr.abs _section_cstart, $3  }
0xdf: {  	[dreg:$0x1] =	wrdreg $0xFFFFFFFF  }
0xe0: {  	_ =	task.clear_ibuf [dreg:s22], $0x2FFFF;
	_ =	strace $0x9FFFFFFF  }
0xe1: {  	(tm) =	ssettm $0x7FFFFFFF  }
tec
execute0_lowered:
.L_overlay_start_1:
0x0: {  	(tag) =	ssettag $0x1  }
0x1: {  	s4 =	rddreg [dreg:$0x0]  }
0x2: {  	s5 =	rddreg [dreg:$0x1]  }
0x3: {  	s6 =	rddreg [dreg:$0x2]  }
0x4: {  	s7 =	rddreg [dreg:$0x3]  }
0x5: {  	s8 =	rddreg [dreg:$0x4]  }
0x6: {  	s9 =	rddreg [dreg:$0x5]  }
0x7: {  	s10 =	rddreg [dreg:$0x6]  }
0x8: {  	s11 =	rddreg [dreg:$0x7]  }
0x9: {  	s3 =	rddreg [dreg:$0x8]  }
0xa: {  	s12 =	rddreg [dreg:$0x9];
	s2 =	srdreg.scid  }
0xb: {  	s0 =	rddreg [dreg:$0xa];
	s1 =	stileid.u32;
	s17 =	simm.s32 $0x400  }
0xc: {  	s18 =	simm.s32 $0x600;
	s19 =	simm.s32 $0x800;
	s20 =	simm.s32 $0xA00  }
0xd: {  	s21 =	simm.s32 $0xC00;
	s22 =	simm.s32 $0xE00;
	s23 =	simm.s32 $0x9480  }
0xe: {  	s24 =	simm.s32 $0x0;
	s13 =	sand.u32 $0x1, s2;
	s2 =	simm.s32 $0x0  }
0xf: {  	s14 =	sshll.u32 s1, $0xA;
	s3 =	sadd.s32 $0xF84600, s3;
	s15 =	sshll.u32 s13, $0x9  }
0x10: {  	[smem:$0x7FF] =	sst s2;
	s13 =	ssub.s32 $0x2, s13;
	s14 =	sor.u32 s15, s14  }
0x11: {  	_ =	strace $0x8000004A;
	s31 =	sshrl.u32 s13, $0x1;
	s15 =	simm.s32 $0x1  }
0x12: {  	s16 =	sshrl.u32 s14, $0x3;
	s13 =	ssub.s32 s13, s31;
	s14 =	sshll.u32 s14, $0x4  }
0x13: {  	s4 =	sadd.s32 s4, s16;
	s5 =	sadd.s32 s5, s16;
	s6 =	sadd.s32 s6, s16  }
0x14: {  	s7 =	sadd.s32 s7, s16;
	s8 =	sadd.s32 s8, s16;
	s9 =	sadd.s32 s9, s16  }
0x15: {  	v0 =	vlaneseq.u32;
	s10 =	sadd.s32 s10, s16;
	s11 =	sadd.s32 s11, s16;
	s12 =	sadd.s32 s12, s14  }
0x16: {  	v0 =	vmul.u32 $0x80, v0;
	s13 =	smax.u32 s13, $0x1;
	s14 =	simm.s32 $0x1000;
	s16 =	simm.s32 $0x200  }
.LBB2_1:
0x17: {  	[tilespmem:s14], [sflag:$0x1] =	stream.linear.gather [hbm4b:s3+s2], $0x8480, $0x38;
	[tilespmem:$0x19480] =	vst v63  }
0x18: {  	_ =	swait.ge [sflag:s15], $0x8480  }
0x19: {  	[sflag:s15] =	ssyncset.done $0x0  }
0x1a: {  	[sflag:s15] =	ssyncadd.s32 $0xFFFF7B80  }
0x1b: {  	[tilespmem:s2], [sflag:$0x1] =	stream.linear.gather [hbm4b:s4+s2], $0x200, $0x38;
	[tilespmem:$0x19480] =	vst v63  }
0x1c: {  	_ =	swait.ge [sflag:s15], $0x200  }
0x1d: {  	[sflag:s15] =	ssyncset.done $0x0  }
0x1e: {  	[sflag:s15] =	ssyncadd.s32 $0xFFFFFE00  }
0x1f: {  	[tilespmem:s16], [sflag:$0x1] =	stream.linear.gather [hbm4b:s5+s2], $0x200, $0x38;
	[tilespmem:$0x19480] =	vst v63  }
0x20: {  	_ =	swait.ge [sflag:s15], $0x200  }
0x21: {  	[sflag:s15] =	ssyncset.done $0x0  }
0x22: {  	[sflag:s15] =	ssyncadd.s32 $0xFFFFFE00  }
0x23: {  	[tilespmem:s17], [sflag:$0x1] =	stream.linear.gather [hbm4b:s6+s2], $0x200, $0x38;
	[tilespmem:$0x19480] =	vst v63  }
0x24: {  	_ =	swait.ge [sflag:s15], $0x200  }
0x25: {  	[sflag:s15] =	ssyncset.done $0x0  }
0x26: {  	[sflag:s15] =	ssyncadd.s32 $0xFFFFFE00  }
0x27: {  	[tilespmem:s18], [sflag:$0x1] =	stream.linear.gather [hbm4b:s7+s2], $0x200, $0x38;
	[tilespmem:$0x19480] =	vst v63  }
0x28: {  	_ =	swait.ge [sflag:s15], $0x200  }
0x29: {  	[sflag:s15] =	ssyncset.done $0x0  }
0x2a: {  	[sflag:s15] =	ssyncadd.s32 $0xFFFFFE00  }
0x2b: {  	[tilespmem:s19], [sflag:$0x1] =	stream.linear.gather [hbm4b:s8+s2], $0x200, $0x38;
	[tilespmem:$0x19480] =	vst v63  }
0x2c: {  	_ =	swait.ge [sflag:s15], $0x200  }
0x2d: {  	[sflag:s15] =	ssyncset.done $0x0  }
0x2e: {  	[sflag:s15] =	ssyncadd.s32 $0xFFFFFE00  }
0x2f: {  	[tilespmem:s20], [sflag:$0x1] =	stream.linear.gather [hbm4b:s9+s2], $0x200, $0x38;
	[tilespmem:$0x19480] =	vst v63  }
0x30: {  	_ =	swait.ge [sflag:s15], $0x200  }
0x31: {  	[sflag:s15] =	ssyncset.done $0x0  }
0x32: {  	[sflag:s15] =	ssyncadd.s32 $0xFFFFFE00  }
0x33: {  	[tilespmem:s21], [sflag:$0x1] =	stream.linear.gather [hbm4b:s10+s2], $0x200, $0x38;
	[tilespmem:$0x19480] =	vst v63  }
0x34: {  	_ =	swait.ge [sflag:s15], $0x200  }
0x35: {  	[sflag:s15] =	ssyncset.done $0x0  }
0x36: {  	[sflag:s15] =	ssyncadd.s32 $0xFFFFFE00  }
0x37: {  	[tilespmem:s22], [sflag:$0x1] =	stream.linear.gather [hbm4b:s11+s2], $0x200, $0x38;
	[tilespmem:$0x19480] =	vst v63  }
0x38: {  	_ =	swait.ge [sflag:s15], $0x200  }
0x39: {  	[sflag:s15] =	ssyncset.done $0x0  }
0x3a: {  	s25 =	simm.s32 $0x0;
	s26 =	simm.s32 $0x0;
	[sflag:s15] =	ssyncadd.s32 $0xFFFFFE00  }
.LBB2_2:
0x3b: {  	s28 =	sshra.s32 s26, $0x2  }
0x3c: {  	v1 =	vld [tilespmem:s28+$0x0];
	_ =	sdelay $0x4  }
0x3d: {  	v2 =	vshll.u32 v1, $0x3;
	_ =	sdelay $0x2  }
0x3e: {  	v1 =	vmov s25  }
0x3f: {  	v1 =	vshll.u32 v1, $0x7  }
0x40: {  	v1 =	vor.u32 v0, v1;
	v3 =	vld.idx.msk [tilespmem:v2+s14+$0x0], $0xffff  }
0x41: {  	v4 =	vor.u32 $0x1, v2;
	_ =	sdelay $0x3  }
0x42: {  	[tilespmem:v1+s23+$0x0] =	vst.idx.msk $0xffff, v3  }
0x43: {  	v43 =	vor.u32 $0x1, v1;
	v3 =	vld.idx.msk [tilespmem:v4+s14+$0x0], $0xffff  }
0x44: {  	v5 =	vor.u32 $0x2, v2;
	_ =	sdelay $0x3  }
0x45: {  	[tilespmem:v43+s23+$0x0] =	vst.idx.msk $0xffff, v3  }
0x46: {  	v44 =	vor.u32 $0x2, v1;
	v3 =	vld.idx.msk [tilespmem:v5+s14+$0x0], $0xffff  }
0x47: {  	v45 =	vor.u32 $0x3, v2;
	_ =	sdelay $0x3  }
0x48: {  	[tilespmem:v44+s23+$0x0] =	vst.idx.msk $0xffff, v3  }
0x49: {  	v46 =	vor.u32 $0x3, v1;
	v3 =	vld.idx.msk [tilespmem:v45+s14+$0x0], $0xffff  }
0x4a: {  	v47 =	vor.u32 $0x4, v2;
	_ =	sdelay $0x3  }
0x4b: {  	[tilespmem:v46+s23+$0x0] =	vst.idx.msk $0xffff, v3  }
0x4c: {  	v48 =	vor.u32 $0x4, v1;
	v3 =	vld.idx.msk [tilespmem:v47+s14+$0x0], $0xffff  }
0x4d: {  	v49 =	vor.u32 $0x5, v2;
	_ =	sdelay $0x3  }
0x4e: {  	[tilespmem:v48+s23+$0x0] =	vst.idx.msk $0xffff, v3  }
0x4f: {  	v50 =	vor.u32 $0x5, v1;
	v3 =	vld.idx.msk [tilespmem:v49+s14+$0x0], $0xffff  }
0x50: {  	v51 =	vor.u32 $0x6, v2;
	_ =	sdelay $0x3  }
0x51: {  	[tilespmem:v50+s23+$0x0] =	vst.idx.msk $0xffff, v3  }
0x52: {  	v52 =	vor.u32 $0x6, v1;
	v3 =	vld.idx.msk [tilespmem:v51+s14+$0x0], $0xffff  }
0x53: {  	v2 =	vor.u32 $0x7, v2;
	_ =	sdelay $0x3  }
0x54: {  	[tilespmem:v52+s23+$0x0] =	vst.idx.msk $0xffff, v3  }
0x55: {  	v3 =	vor.u32 $0x7, v1;
	v2 =	vld.idx.msk [tilespmem:v2+s14+$0x0], $0xffff;
	_ =	sdelay $0x4  }
0x56: {  	[tilespmem:v3+s23+$0x0] =	vst.idx.msk $0xffff, v2  }
0x57: {  	v2 =	vld [tilespmem:s28+$0x200];
	_ =	sdelay $0x4  }
0x58: {  	v2 =	vshll.u32 v2, $0x4  }
0x59: {  	v3 =	vadd.s32 $0x20, v2;
	_ =	sdelay $0x4  }
0x5a: {  	v53 =	vor.u32 $0x10, v1;
	v3 =	vld.idx.msk [tilespmem:v3+s14+$0x0], $0xffff  }
0x5b: {  	v54 =	vadd.s32 $0x21, v2;
	_ =	sdelay $0x3  }
0x5c: {  	[tilespmem:v53+s23+$0x0] =	vst.idx.msk $0xffff, v3  }
0x5d: {  	v55 =	vor.u32 $0x11, v1;
	v3 =	vld.idx.msk [tilespmem:v54+s14+$0x0], $0xffff  }
0x5e: {  	v56 =	vadd.s32 $0x22, v2;
	_ =	sdelay $0x3  }
0x5f: {  	[tilespmem:v55+s23+$0x0] =	vst.idx.msk $0xffff, v3  }
0x60: {  	v57 =	vor.u32 $0x12, v1;
	v3 =	vld.idx.msk [tilespmem:v56+s14+$0x0], $0xffff  }
0x61: {  	v58 =	vadd.s32 $0x23, v2;
	_ =	sdelay $0x3  }
0x62: {  	[tilespmem:v57+s23+$0x0] =	vst.idx.msk $0xffff, v3  }
0x63: {  	v59 =	vor.u32 $0x13, v1;
	v3 =	vld.idx.msk [tilespmem:v58+s14+$0x0], $0xffff  }
0x64: {  	v60 =	vadd.s32 $0x24, v2;
	_ =	sdelay $0x3  }
0x65: {  	[tilespmem:v59+s23+$0x0] =	vst.idx.msk $0xffff, v3  }
0x66: {  	v61 =	vor.u32 $0x14, v1;
	v3 =	vld.idx.msk [tilespmem:v60+s14+$0x0], $0xffff  }
0x67: {  	v62 =	vadd.s32 $0x25, v2;
	_ =	sdelay $0x3  }
0x68: {  	[tilespmem:v61+s23+$0x0] =	vst.idx.msk $0xffff, v3  }
0x69: {  	v63 =	vor.u32 $0x15, v1;
	v3 =	vld.idx.msk [tilespmem:v62+s14+$0x0], $0xffff  }
0x6a: {  	v8 =	vadd.s32 $0x26, v2;
	_ =	sdelay $0x3  }
0x6b: {  	[tilespmem:v63+s23+$0x0] =	vst.idx.msk $0xffff, v3  }
0x6c: {  	v9 =	vor.u32 $0x16, v1;
	v3 =	vld.idx.msk [tilespmem:v8+s14+$0x0], $0xffff  }
0x6d: {  	v10 =	vadd.s32 $0x27, v2;
	_ =	sdelay $0x3  }
0x6e: {  	[tilespmem:v9+s23+$0x0] =	vst.idx.msk $0xffff, v3  }
0x6f: {  	v11 =	vor.u32 $0x17, v1;
	v3 =	vld.idx.msk [tilespmem:v10+s14+$0x0], $0xffff  }
0x70: {  	v12 =	vadd.s32 $0x28, v2;
	_ =	sdelay $0x3  }
0x71: {  	[tilespmem:v11+s23+$0x0] =	vst.idx.msk $0xffff, v3  }
0x72: {  	v13 =	vor.u32 $0x18, v1;
	v3 =	vld.idx.msk [tilespmem:v12+s14+$0x0], $0xffff  }
0x73: {  	v14 =	vadd.s32 $0x29, v2;
	_ =	sdelay $0x3  }
0x74: {  	[tilespmem:v13+s23+$0x0] =	vst.idx.msk $0xffff, v3  }
0x75: {  	v15 =	vor.u32 $0x19, v1;
	v3 =	vld.idx.msk [tilespmem:v14+s14+$0x0], $0xffff  }
0x76: {  	v16 =	vadd.s32 $0x2A, v2;
	_ =	sdelay $0x3  }
0x77: {  	[tilespmem:v15+s23+$0x0] =	vst.idx.msk $0xffff, v3  }
0x78: {  	v17 =	vor.u32 $0x1A, v1;
	v3 =	vld.idx.msk [tilespmem:v16+s14+$0x0], $0xffff  }
0x79: {  	v18 =	vadd.s32 $0x2B, v2;
	_ =	sdelay $0x3  }
0x7a: {  	[tilespmem:v17+s23+$0x0] =	vst.idx.msk $0xffff, v3  }
0x7b: {  	v19 =	vor.u32 $0x1B, v1;
	v3 =	vld.idx.msk [tilespmem:v18+s14+$0x0], $0xffff  }
0x7c: {  	v20 =	vadd.s32 $0x2C, v2;
	_ =	sdelay $0x3  }
0x7d: {  	[tilespmem:v19+s23+$0x0] =	vst.idx.msk $0xffff, v3  }
0x7e: {  	v21 =	vor.u32 $0x1C, v1;
	v3 =	vld.idx.msk [tilespmem:v20+s14+$0x0], $0xffff  }
0x7f: {  	v22 =	vadd.s32 $0x2D, v2;
	_ =	sdelay $0x3  }
0x80: {  	[tilespmem:v21+s23+$0x0] =	vst.idx.msk $0xffff, v3  }
0x81: {  	v23 =	vor.u32 $0x1D, v1;
	v3 =	vld.idx.msk [tilespmem:v22+s14+$0x0], $0xffff  }
0x82: {  	v24 =	vadd.s32 $0x2E, v2;
	_ =	sdelay $0x3  }
0x83: {  	[tilespmem:v23+s23+$0x0] =	vst.idx.msk $0xffff, v3  }
0x84: {  	v25 =	vor.u32 $0x1E, v1;
	v3 =	vld.idx.msk [tilespmem:v24+s14+$0x0], $0xffff  }
0x85: {  	v2 =	vadd.s32 $0x2F, v2;
	_ =	sdelay $0x3  }
0x86: {  	[tilespmem:v25+s23+$0x0] =	vst.idx.msk $0xffff, v3  }
0x87: {  	v3 =	vor.u32 $0x1F, v1;
	v2 =	vld.idx.msk [tilespmem:v2+s14+$0x0], $0xffff;
	_ =	sdelay $0x4  }
0x88: {  	[tilespmem:v3+s23+$0x0] =	vst.idx.msk $0xffff, v2  }
0x89: {  	v2 =	vld [tilespmem:s28+$0x400];
	_ =	sdelay $0x4  }
0x8a: {  	v2 =	vshll.u32 v2, $0x3  }
0x8b: {  	v3 =	vadd.s32 $0x3EA0, v2;
	_ =	sdelay $0x4  }
0x8c: {  	v26 =	vor.u32 $0x20, v1;
	v3 =	vld.idx.msk [tilespmem:v3+s14+$0x0], $0xffff  }
0x8d: {  	v27 =	vadd.s32 $0x3EA1, v2;
	_ =	sdelay $0x3  }
0x8e: {  	[tilespmem:v26+s23+$0x0] =	vst.idx.msk $0xffff, v3  }
0x8f: {  	v28 =	vor.u32 $0x21, v1;
	v3 =	vld.idx.msk [tilespmem:v27+s14+$0x0], $0xffff  }
0x90: {  	v29 =	vadd.s32 $0x3EA2, v2;
	_ =	sdelay $0x3  }
0x91: {  	[tilespmem:v28+s23+$0x0] =	vst.idx.msk $0xffff, v3  }
0x92: {  	v30 =	vor.u32 $0x22, v1;
	v3 =	vld.idx.msk [tilespmem:v29+s14+$0x0], $0xffff  }
0x93: {  	v31 =	vadd.s32 $0x3EA3, v2;
	_ =	sdelay $0x3  }
0x94: {  	[tilespmem:v30+s23+$0x0] =	vst.idx.msk $0xffff, v3  }
0x95: {  	v32 =	vor.u32 $0x23, v1;
	v3 =	vld.idx.msk [tilespmem:v31+s14+$0x0], $0xffff  }
0x96: {  	v33 =	vadd.s32 $0x3EA4, v2;
	_ =	sdelay $0x3  }
0x97: {  	[tilespmem:v32+s23+$0x0] =	vst.idx.msk $0xffff, v3  }
0x98: {  	v34 =	vor.u32 $0x24, v1;
	v3 =	vld.idx.msk [tilespmem:v33+s14+$0x0], $0xffff  }
0x99: {  	v35 =	vadd.s32 $0x3EA5, v2;
	_ =	sdelay $0x3  }
0x9a: {  	[tilespmem:v34+s23+$0x0] =	vst.idx.msk $0xffff, v3  }
0x9b: {  	v36 =	vor.u32 $0x25, v1;
	v3 =	vld.idx.msk [tilespmem:v35+s14+$0x0], $0xffff  }
0x9c: {  	v37 =	vadd.s32 $0x3EA6, v2;
	_ =	sdelay $0x3  }
0x9d: {  	[tilespmem:v36+s23+$0x0] =	vst.idx.msk $0xffff, v3  }
0x9e: {  	v38 =	vor.u32 $0x26, v1;
	v3 =	vld.idx.msk [tilespmem:v37+s14+$0x0], $0xffff  }
0x9f: {  	v2 =	vadd.s32 $0x3EA7, v2;
	_ =	sdelay $0x3  }
0xa0: {  	[tilespmem:v38+s23+$0x0] =	vst.idx.msk $0xffff, v3  }
0xa1: {  	v3 =	vor.u32 $0x27, v1;
	v2 =	vld.idx.msk [tilespmem:v2+s14+$0x0], $0xffff;
	_ =	sdelay $0x4  }
0xa2: {  	[tilespmem:v3+s23+$0x0] =	vst.idx.msk $0xffff, v2  }
0xa3: {  	v2 =	vld [tilespmem:s28+$0x600];
	_ =	sdelay $0x4  }
0xa4: {  	v2 =	vshll.u32 v2, $0x3  }
0xa5: {  	v3 =	vadd.s32 $0x41C0, v2;
	_ =	sdelay $0x4  }
0xa6: {  	v39 =	vor.u32 $0x30, v1;
	v3 =	vld.idx.msk [tilespmem:v3+s14+$0x0], $0xffff  }
0xa7: {  	v40 =	vadd.s32 $0x41C1, v2;
	_ =	sdelay $0x3  }
0xa8: {  	[tilespmem:v39+s23+$0x0] =	vst.idx.msk $0xffff, v3  }
0xa9: {  	v41 =	vor.u32 $0x31, v1;
	v3 =	vld.idx.msk [tilespmem:v40+s14+$0x0], $0xffff  }
0xaa: {  	v42 =	vadd.s32 $0x41C2, v2;
	_ =	sdelay $0x3  }
0xab: {  	[tilespmem:v41+s23+$0x0] =	vst.idx.msk $0xffff, v3  }
0xac: {  	v43 =	vor.u32 $0x32, v1;
	v3 =	vld.idx.msk [tilespmem:v42+s14+$0x0], $0xffff  }
0xad: {  	v44 =	vadd.s32 $0x41C3, v2;
	_ =	sdelay $0x3  }
0xae: {  	[tilespmem:v43+s23+$0x0] =	vst.idx.msk $0xffff, v3  }
0xaf: {  	v45 =	vor.u32 $0x33, v1;
	v3 =	vld.idx.msk [tilespmem:v44+s14+$0x0], $0xffff  }
0xb0: {  	v46 =	vadd.s32 $0x41C4, v2;
	_ =	sdelay $0x3  }
0xb1: {  	[tilespmem:v45+s23+$0x0] =	vst.idx.msk $0xffff, v3  }
0xb2: {  	v47 =	vor.u32 $0x34, v1;
	v3 =	vld.idx.msk [tilespmem:v46+s14+$0x0], $0xffff  }
0xb3: {  	v48 =	vadd.s32 $0x41C5, v2;
	_ =	sdelay $0x3  }
0xb4: {  	[tilespmem:v47+s23+$0x0] =	vst.idx.msk $0xffff, v3  }
0xb5: {  	v49 =	vor.u32 $0x35, v1;
	v3 =	vld.idx.msk [tilespmem:v48+s14+$0x0], $0xffff  }
0xb6: {  	v50 =	vadd.s32 $0x41C6, v2;
	_ =	sdelay $0x3  }
0xb7: {  	[tilespmem:v49+s23+$0x0] =	vst.idx.msk $0xffff, v3  }
0xb8: {  	v51 =	vor.u32 $0x36, v1;
	v3 =	vld.idx.msk [tilespmem:v50+s14+$0x0], $0xffff  }
0xb9: {  	v2 =	vadd.s32 $0x41C7, v2;
	_ =	sdelay $0x3  }
0xba: {  	[tilespmem:v51+s23+$0x0] =	vst.idx.msk $0xffff, v3  }
0xbb: {  	v3 =	vor.u32 $0x37, v1;
	v2 =	vld.idx.msk [tilespmem:v2+s14+$0x0], $0xffff;
	_ =	sdelay $0x4  }
0xbc: {  	[tilespmem:v3+s23+$0x0] =	vst.idx.msk $0xffff, v2  }
0xbd: {  	v2 =	vld [tilespmem:s28+$0x800];
	_ =	sdelay $0x4  }
0xbe: {  	v2 =	vshll.u32 v2, $0x4  }
0xbf: {  	v3 =	vadd.s32 $0x4210, v2;
	_ =	sdelay $0x4  }
0xc0: {  	v52 =	vor.u32 $0x40, v1;
	v3 =	vld.idx.msk [tilespmem:v3+s14+$0x0], $0xffff  }
0xc1: {  	v53 =	vadd.s32 $0x4211, v2;
	_ =	sdelay $0x3  }
0xc2: {  	[tilespmem:v52+s23+$0x0] =	vst.idx.msk $0xffff, v3  }
0xc3: {  	v54 =	vor.u32 $0x41, v1;
	v3 =	vld.idx.msk [tilespmem:v53+s14+$0x0], $0xffff  }
0xc4: {  	v55 =	vadd.s32 $0x4212, v2;
	_ =	sdelay $0x3  }
0xc5: {  	[tilespmem:v54+s23+$0x0] =	vst.idx.msk $0xffff, v3  }
0xc6: {  	v56 =	vor.u32 $0x42, v1;
	v3 =	vld.idx.msk [tilespmem:v55+s14+$0x0], $0xffff  }
0xc7: {  	v57 =	vadd.s32 $0x4213, v2;
	_ =	sdelay $0x3  }
0xc8: {  	[tilespmem:v56+s23+$0x0] =	vst.idx.msk $0xffff, v3  }
0xc9: {  	v58 =	vor.u32 $0x43, v1;
	v3 =	vld.idx.msk [tilespmem:v57+s14+$0x0], $0xffff  }
0xca: {  	v59 =	vadd.s32 $0x4214, v2;
	_ =	sdelay $0x3  }
0xcb: {  	[tilespmem:v58+s23+$0x0] =	vst.idx.msk $0xffff, v3  }
0xcc: {  	v60 =	vor.u32 $0x44, v1;
	v3 =	vld.idx.msk [tilespmem:v59+s14+$0x0], $0xffff  }
0xcd: {  	v61 =	vadd.s32 $0x4215, v2;
	_ =	sdelay $0x3  }
0xce: {  	[tilespmem:v60+s23+$0x0] =	vst.idx.msk $0xffff, v3  }
0xcf: {  	v62 =	vor.u32 $0x45, v1;
	v3 =	vld.idx.msk [tilespmem:v61+s14+$0x0], $0xffff  }
0xd0: {  	v63 =	vadd.s32 $0x4216, v2;
	_ =	sdelay $0x3  }
0xd1: {  	[tilespmem:v62+s23+$0x0] =	vst.idx.msk $0xffff, v3  }
0xd2: {  	v8 =	vor.u32 $0x46, v1;
	v3 =	vld.idx.msk [tilespmem:v63+s14+$0x0], $0xffff  }
0xd3: {  	v9 =	vadd.s32 $0x4217, v2;
	_ =	sdelay $0x3  }
0xd4: {  	[tilespmem:v8+s23+$0x0] =	vst.idx.msk $0xffff, v3  }
0xd5: {  	v10 =	vor.u32 $0x47, v1;
	v3 =	vld.idx.msk [tilespmem:v9+s14+$0x0], $0xffff  }
0xd6: {  	v11 =	vadd.s32 $0x4218, v2;
	_ =	sdelay $0x3  }
0xd7: {  	[tilespmem:v10+s23+$0x0] =	vst.idx.msk $0xffff, v3  }
0xd8: {  	v12 =	vor.u32 $0x48, v1;
	v3 =	vld.idx.msk [tilespmem:v11+s14+$0x0], $0xffff  }
0xd9: {  	v13 =	vadd.s32 $0x4219, v2;
	_ =	sdelay $0x3  }
0xda: {  	[tilespmem:v12+s23+$0x0] =	vst.idx.msk $0xffff, v3  }
0xdb: {  	v14 =	vor.u32 $0x49, v1;
	v3 =	vld.idx.msk [tilespmem:v13+s14+$0x0], $0xffff  }
0xdc: {  	v15 =	vadd.s32 $0x421A, v2;
	_ =	sdelay $0x3  }
0xdd: {  	[tilespmem:v14+s23+$0x0] =	vst.idx.msk $0xffff, v3  }
0xde: {  	v16 =	vor.u32 $0x4A, v1;
	v3 =	vld.idx.msk [tilespmem:v15+s14+$0x0], $0xffff  }
0xdf: {  	v17 =	vadd.s32 $0x421B, v2;
	_ =	sdelay $0x3  }
0xe0: {  	[tilespmem:v16+s23+$0x0] =	vst.idx.msk $0xffff, v3  }
0xe1: {  	v18 =	vor.u32 $0x4B, v1;
	v3 =	vld.idx.msk [tilespmem:v17+s14+$0x0], $0xffff  }
0xe2: {  	v19 =	vadd.s32 $0x421C, v2;
	_ =	sdelay $0x3  }
0xe3: {  	[tilespmem:v18+s23+$0x0] =	vst.idx.msk $0xffff, v3  }
0xe4: {  	v20 =	vor.u32 $0x4C, v1;
	v3 =	vld.idx.msk [tilespmem:v19+s14+$0x0], $0xffff  }
0xe5: {  	v21 =	vadd.s32 $0x421D, v2;
	_ =	sdelay $0x3  }
0xe6: {  	[tilespmem:v20+s23+$0x0] =	vst.idx.msk $0xffff, v3  }
0xe7: {  	v22 =	vor.u32 $0x4D, v1;
	v3 =	vld.idx.msk [tilespmem:v21+s14+$0x0], $0xffff  }
0xe8: {  	v23 =	vadd.s32 $0x421E, v2;
	_ =	sdelay $0x3  }
0xe9: {  	[tilespmem:v22+s23+$0x0] =	vst.idx.msk $0xffff, v3  }
0xea: {  	v24 =	vor.u32 $0x4E, v1;
	v3 =	vld.idx.msk [tilespmem:v23+s14+$0x0], $0xffff  }
0xeb: {  	v2 =	vadd.s32 $0x421F, v2;
	_ =	sdelay $0x3  }
0xec: {  	[tilespmem:v24+s23+$0x0] =	vst.idx.msk $0xffff, v3  }
0xed: {  	v3 =	vor.u32 $0x4F, v1;
	v2 =	vld.idx.msk [tilespmem:v2+s14+$0x0], $0xffff;
	_ =	sdelay $0x4  }
0xee: {  	[tilespmem:v3+s23+$0x0] =	vst.idx.msk $0xffff, v2  }
0xef: {  	v2 =	vld [tilespmem:s28+$0xA00];
	_ =	sdelay $0x4  }
0xf0: {  	v2 =	vshll.u32 v2, $0x3  }
0xf1: {  	v3 =	vadd.s32 $0x8090, v2;
	_ =	sdelay $0x4  }
0xf2: {  	v25 =	vor.u32 $0x50, v1;
	v3 =	vld.idx.msk [tilespmem:v3+s14+$0x0], $0xffff  }
0xf3: {  	v26 =	vadd.s32 $0x8091, v2;
	_ =	sdelay $0x3  }
0xf4: {  	[tilespmem:v25+s23+$0x0] =	vst.idx.msk $0xffff, v3  }
0xf5: {  	v27 =	vor.u32 $0x51, v1;
	v3 =	vld.idx.msk [tilespmem:v26+s14+$0x0], $0xffff  }
0xf6: {  	v28 =	vadd.s32 $0x8092, v2;
	_ =	sdelay $0x3  }
0xf7: {  	[tilespmem:v27+s23+$0x0] =	vst.idx.msk $0xffff, v3  }
0xf8: {  	v29 =	vor.u32 $0x52, v1;
	v3 =	vld.idx.msk [tilespmem:v28+s14+$0x0], $0xffff  }
0xf9: {  	v30 =	vadd.s32 $0x8093, v2;
	_ =	sdelay $0x3  }
0xfa: {  	[tilespmem:v29+s23+$0x0] =	vst.idx.msk $0xffff, v3  }
0xfb: {  	v31 =	vor.u32 $0x53, v1;
	v3 =	vld.idx.msk [tilespmem:v30+s14+$0x0], $0xffff  }
0xfc: {  	v32 =	vadd.s32 $0x8094, v2;
	_ =	sdelay $0x3  }
0xfd: {  	[tilespmem:v31+s23+$0x0] =	vst.idx.msk $0xffff, v3  }
0xfe: {  	v33 =	vor.u32 $0x54, v1;
	v3 =	vld.idx.msk [tilespmem:v32+s14+$0x0], $0xffff  }
0xff: {  	v34 =	vadd.s32 $0x8095, v2;
	_ =	sdelay $0x3  }
0x100: {  	[tilespmem:v33+s23+$0x0] =	vst.idx.msk $0xffff, v3  }
0x101: {  	v35 =	vor.u32 $0x55, v1;
	v3 =	vld.idx.msk [tilespmem:v34+s14+$0x0], $0xffff  }
0x102: {  	v36 =	vadd.s32 $0x8096, v2;
	_ =	sdelay $0x3  }
0x103: {  	[tilespmem:v35+s23+$0x0] =	vst.idx.msk $0xffff, v3  }
0x104: {  	v37 =	vor.u32 $0x56, v1;
	v3 =	vld.idx.msk [tilespmem:v36+s14+$0x0], $0xffff  }
0x105: {  	v2 =	vadd.s32 $0x8097, v2;
	_ =	sdelay $0x3  }
0x106: {  	[tilespmem:v37+s23+$0x0] =	vst.idx.msk $0xffff, v3  }
0x107: {  	v3 =	vor.u32 $0x57, v1;
	v2 =	vld.idx.msk [tilespmem:v2+s14+$0x0], $0xffff;
	_ =	sdelay $0x4  }
0x108: {  	[tilespmem:v3+s23+$0x0] =	vst.idx.msk $0xffff, v2  }
0x109: {  	v2 =	vld [tilespmem:s28+$0xC00];
	_ =	sdelay $0x4  }
0x10a: {  	v2 =	vshll.u32 v2, $0x3  }
0x10b: {  	v3 =	vadd.s32 $0x83B0, v2;
	_ =	sdelay $0x4  }
0x10c: {  	v38 =	vor.u32 $0x60, v1;
	v3 =	vld.idx.msk [tilespmem:v3+s14+$0x0], $0xffff  }
0x10d: {  	v39 =	vadd.s32 $0x83B1, v2;
	_ =	sdelay $0x3  }
0x10e: {  	[tilespmem:v38+s23+$0x0] =	vst.idx.msk $0xffff, v3  }
0x10f: {  	v40 =	vor.u32 $0x61, v1;
	v3 =	vld.idx.msk [tilespmem:v39+s14+$0x0], $0xffff  }
0x110: {  	v41 =	vadd.s32 $0x83B2, v2;
	_ =	sdelay $0x3  }
0x111: {  	[tilespmem:v40+s23+$0x0] =	vst.idx.msk $0xffff, v3  }
0x112: {  	v42 =	vor.u32 $0x62, v1;
	v3 =	vld.idx.msk [tilespmem:v41+s14+$0x0], $0xffff  }
0x113: {  	v43 =	vadd.s32 $0x83B3, v2;
	_ =	sdelay $0x3  }
0x114: {  	[tilespmem:v42+s23+$0x0] =	vst.idx.msk $0xffff, v3  }
0x115: {  	v44 =	vor.u32 $0x63, v1;
	v3 =	vld.idx.msk [tilespmem:v43+s14+$0x0], $0xffff  }
0x116: {  	v45 =	vadd.s32 $0x83B4, v2;
	_ =	sdelay $0x3  }
0x117: {  	[tilespmem:v44+s23+$0x0] =	vst.idx.msk $0xffff, v3  }
0x118: {  	v46 =	vor.u32 $0x64, v1;
	v3 =	vld.idx.msk [tilespmem:v45+s14+$0x0], $0xffff  }
0x119: {  	v47 =	vadd.s32 $0x83B5, v2;
	_ =	sdelay $0x3  }
0x11a: {  	[tilespmem:v46+s23+$0x0] =	vst.idx.msk $0xffff, v3  }
0x11b: {  	v48 =	vor.u32 $0x65, v1;
	v3 =	vld.idx.msk [tilespmem:v47+s14+$0x0], $0xffff  }
0x11c: {  	v49 =	vadd.s32 $0x83B6, v2;
	_ =	sdelay $0x3  }
0x11d: {  	[tilespmem:v48+s23+$0x0] =	vst.idx.msk $0xffff, v3  }
0x11e: {  	v50 =	vor.u32 $0x66, v1;
	v3 =	vld.idx.msk [tilespmem:v49+s14+$0x0], $0xffff  }
0x11f: {  	v2 =	vadd.s32 $0x83B7, v2;
	_ =	sdelay $0x3  }
0x120: {  	[tilespmem:v50+s23+$0x0] =	vst.idx.msk $0xffff, v3  }
0x121: {  	v3 =	vor.u32 $0x67, v1;
	v2 =	vld.idx.msk [tilespmem:v2+s14+$0x0], $0xffff;
	_ =	sdelay $0x4  }
0x122: {  	[tilespmem:v3+s23+$0x0] =	vst.idx.msk $0xffff, v2  }
0x123: {  	v2 =	vld [tilespmem:s28+$0xE00];
	_ =	sdelay $0x4  }
0x124: {  	v2 =	vshll.u32 v2, $0x3  }
0x125: {  	v3 =	vadd.s32 $0x8400, v2;
	_ =	sdelay $0x4  }
0x126: {  	v51 =	vor.u32 $0x70, v1;
	v3 =	vld.idx.msk [tilespmem:v3+s14+$0x0], $0xffff  }
0x127: {  	v52 =	vadd.s32 $0x8401, v2;
	_ =	sdelay $0x3  }
0x128: {  	[tilespmem:v51+s23+$0x0] =	vst.idx.msk $0xffff, v3  }
0x129: {  	v53 =	vor.u32 $0x71, v1;
	v3 =	vld.idx.msk [tilespmem:v52+s14+$0x0], $0xffff  }
0x12a: {  	v54 =	vadd.s32 $0x8402, v2;
	_ =	sdelay $0x3  }
0x12b: {  	[tilespmem:v53+s23+$0x0] =	vst.idx.msk $0xffff, v3  }
0x12c: {  	v55 =	vor.u32 $0x72, v1;
	v3 =	vld.idx.msk [tilespmem:v54+s14+$0x0], $0xffff  }
0x12d: {  	v56 =	vadd.s32 $0x8403, v2;
	_ =	sdelay $0x3  }
0x12e: {  	[tilespmem:v55+s23+$0x0] =	vst.idx.msk $0xffff, v3  }
0x12f: {  	v57 =	vor.u32 $0x73, v1;
	v3 =	vld.idx.msk [tilespmem:v56+s14+$0x0], $0xffff  }
0x130: {  	v58 =	vadd.s32 $0x8404, v2;
	_ =	sdelay $0x3  }
0x131: {  	[tilespmem:v57+s23+$0x0] =	vst.idx.msk $0xffff, v3  }
0x132: {  	v59 =	vor.u32 $0x74, v1;
	v3 =	vld.idx.msk [tilespmem:v58+s14+$0x0], $0xffff  }
0x133: {  	v60 =	vadd.s32 $0x8405, v2;
	_ =	sdelay $0x3  }
0x134: {  	[tilespmem:v59+s23+$0x0] =	vst.idx.msk $0xffff, v3  }
0x135: {  	v61 =	vor.u32 $0x75, v1;
	v3 =	vld.idx.msk [tilespmem:v60+s14+$0x0], $0xffff  }
0x136: {  	v62 =	vadd.s32 $0x8406, v2;
	_ =	sdelay $0x3  }
0x137: {  	[tilespmem:v61+s23+$0x0] =	vst.idx.msk $0xffff, v3  }
0x138: {  	v63 =	vor.u32 $0x76, v1;
	v3 =	vld.idx.msk [tilespmem:v62+s14+$0x0], $0xffff  }
0x139: {  	v2 =	vadd.s32 $0x8407, v2;
	_ =	sdelay $0x3  }
0x13a: {  	[tilespmem:v63+s23+$0x0] =	vst.idx.msk $0xffff, v3  }
0x13b: {  	p0 =	sne.s32 s26, $0x7C0;
	v1 =	vor.u32 $0x77, v1;
	v2 =	vld.idx.msk [tilespmem:v2+s14+$0x0], $0xffff  }
.Ltmp0:
0x13c: {  	_ = 	snop;
	(pc) =	sbr.rel @p0 .LBB2_2-.Ltmp0, $2  }
0x13d: {  	_ =	sdelay $0x2  }
0x13e: {  	s26 =	sadd.s32 $0x40, s26;
	s25 =	sadd.s32 $0x10, s25;
	[tilespmem:v1+s23+$0x0] =	vst.idx.msk $0xffff, v2  }
0x13f: {  	s24 =	sadd.s32 $0x1, s24  }
0x140: {  	p0 =	sne.s32 s24, s13  }
.Ltmp1:
0x141: {  	_ = 	snop;
	(pc) =	sbr.rel @p0 .LBB2_1-.Ltmp1, $4  }
0x142: {  	[hbm4b:s12+s2] =	stream.linear.scatter [tilespmem:s23], [sflag:$0x1], $0x10000, $0x38;
	[tilespmem:$0x19480] =	vst v63  }
0x143: {  	_ =	swait.ge [sflag:s15], $0x10000  }
0x144: {  	[sflag:s15] =	ssyncset.done $0x0  }
0x145: {  	[sflag:s15] =	ssyncadd.s32 $0xFFFF0000  }
0x146: {  	_ =	sfence.sel $0x180000  }
0x147: {  	[bflag:$0x0] =	sbarrier.arrive $0xFFFF  }
0x148: {  	p0 =	sne.s32 s1, $0x0;
	_ =	strace $0x9000004A  }
0x149: {  	s0 =	sadd.s32 @!p0 $0x100000, s0;
	[bflag:$0x2] =	sbarrier.arrive $0xFFFF  }
0x14a: {  	[sflag:s0] =	ssyncadd.tile.s32 @!p0 $0x1;
	_ =	shalt  }
.Lfunc_end2:
_tile_overlayer_lowered:
.L_overlay_start_2:
0x14b: {  	(tag) =	ssettag $0x2  }
0x14c: {  	s0 =	rddreg [dreg:$0x0];
	s2 =	stileid.u32  }
0x14d: {  	s1 =	rddreg [dreg:$0x1];
	p0 =	sne.s32 s2, $0x0  }
0x14e: {  	s3 =	rddreg [dreg:$0x2];
	[bflag:$0x3] =	sbarrier.arrive $0xFFFF;
	s2 =	simm.s32 @!p0 $0x1C01  }
0x14f: {  	[timem:s3], [sflag:s2] =	dma.local @!p0 [hbm:s0], s1  }
0x150: {  	s0 =	simm.s32 @!p0 $0x1  }
0x151: {  	_ =	swait.ge @!p0 [sflag:s0], s1  }
0x152: {  	s1 =	ssub.s32 @!p0 $0x0, s1;
	[sflag:s0] =	ssyncset.done @!p0 $0x0  }
0x153: {  	[sflag:s0] =	ssyncadd.s32 @!p0 s1  }
0x154: {  	[bflag:$0x3] =	sbarrier.arrive $0xFFFF  }
0x155: {  	_ =	shalt  }

// kernel: kernel.8.cloned.1.call-start
scs
__scs_entry_jumppad:
0x0: {  	(pc) =	sbr.rel $0x88, $3  }
0x1: {  	(tag) =	ssettag $0x0;
	lr =	simm.s32 $0x1  }
0x2: {  	[smem:$0x3F8B] =	sst lr;
	_ =	strace $0xD0000000  }
0x3: {  	_ = 	snop  }
0x4: {  	_ = 	snop  }
0x5: {  	_ = 	snop  }
0x6: {  	_ = 	snop  }
0x7: {  	_ = 	snop  }
__scs_overlays_trampoline_lowered:
0x8: {  	[smem:$0x3F9A] =	sst s0  }
0x9: {  	[smem:$0x3F9B] =	sst s1  }
0xa: {  	[smem:$0x3F9C] =	sst s2  }
0xb: {  	[smem:$0x3F9D] =	sst s3  }
0xc: {  	[smem:$0x3F9E] =	sst s4  }
0xd: {  	[smem:$0x3F9F] =	sst s5  }
0xe: {  	[smem:$0x3FA0] =	sst s6  }
0xf: {  	[smem:$0x3FA1] =	sst s7  }
0x10: {  	[smem:$0x3FA2] =	sst s8  }
0x11: {  	[smem:$0x3FA3] =	sst s9;
	s0 =	simm.s32 @!p0 $0x0  }
0x12: {  	s1 =	sld [smem:$0x3F89];
	s0 =	simm.s32 @p0 $0x1  }
0x13: {  	[smem:$0x3FA4] =	sst s0;
	s0 =	simm.s32 @!p1 $0x0  }
0x14: {  	s2 =	sld [smem:$0x3F88];
	s0 =	simm.s32 @p1 $0x1  }
0x15: {  	[smem:$0x3FA5] =	sst s0;
	s0 =	simm.s32 @!p2 $0x0  }
0x16: {  	s3 =	sld [smem:$0x3FDB];
	s0 =	simm.s32 @p2 $0x1  }
0x17: {  	s4 =	simm.s32 $0x1BF5;
	[smem:$0x3FA7] =	sst s0  }
0x18: {  	s0 =	sld [smem:$0x3F8A];
	_ =	swait.ge [sflag:s4], $0x0  }
0x19: {  	s7 =	sld [smem:$0x3F8B]  }
0x1a: {  	s8 =	sadd.s32 $0xFFFFE003, lr  }
0x1b: {  	s9 =	sadd.s32 $0xFFFFFEF7, lr;
	s5 =	simm.s32 $0xFFFFFFFF;
	p2 =	slt.u32 s8, $0xFFFFF086  }
0x1c: {  	p1 =	slt.u32 s9, $0xF7A;
	s5 =	simm.s32 @!p2 $0x0  }
0x1d: {  	s5 =	simm.s32 @p1 $0x1;
	p0 =	seq.s32 s7, s2  }
0x1e: {  	s7 =	smul.u32 @!p0 $0xF7A, s2;
	p2 =	seq.s32 @!p0 s5, $0x0  }
0x1f: {  	s9 =	smul.u32 $0xF7A, s1;
	s8 =	simm.s32 @!p0 $0x1BF5;
	p2 =	por !p2, p0  }
0x20: {  	[sflag:s8] =	ssyncset.s32 @!p0 $0xFFFFF086;
	s6 =	sadd.s32 @!p0 s3, s7;
	s7 =	simm.s32 @!p0 $0x108  }
0x21: {  	s3 =	sadd.s32 s3, s9;
	s6 =	sadd.s32 @!p0 $0x88, s6;
	s7 =	simm.s32 @p2 $0x1082  }
0x22: {  	[simem:s7], [sflag:s8] =	dma.local @!p0 [hbm:s6], $0xF7A  }
0x23: {  	s9 =	sor.u32 $0xD0000000, s2;
	s6 =	simm.s32 $0x108;
	_ =	swait.ge @!p0 [sflag:s8], $0x0  }
0x24: {  	s3 =	sadd.s32 $0x88, s3;
	s6 =	simm.s32 @!p1 $0x1082;
	[sflag:s4] =	ssyncset.s32 $0xFFFFF086  }
0x25: {  	[simem:s6], [sflag:s4] =	dma.local [hbm:s3], $0xF7A  }
0x26: {  	[smem:$0x3F8B] =	sst s1;
	(tag) =	ssettag s2;
	_ =	strace s9  }
0x27: {  	s1 =	sld [smem:$0x3F9B]  }
0x28: {  	s2 =	sld [smem:$0x3F9C]  }
0x29: {  	s4 =	sld [smem:$0x3F9E]  }
0x2a: {  	p0 =	seq.s32 s5, $0x0;
	s5 =	sld [smem:$0x3F9F]  }
0x2b: {  	s6 =	sld [smem:$0x3FA0]  }
0x2c: {  	s7 =	sld [smem:$0x3FA1]  }
0x2d: {  	s3 =	simm.s32 $0x108;
	s8 =	sld [smem:$0x3FA2]  }
0x2e: {  	s3 =	simm.s32 @!p0 $0x1082;
	s9 =	sld [smem:$0x3FA3]  }
0x2f: {  	lr =	sadd.s32 s0, s3;
	s0 =	sld [smem:$0x3F9A]  }
0x30: {  	s3 =	sld [smem:$0x3F9D]  }
0x31: {  	[smem:$0x3FA6] =	sst s10  }
0x32: {  	s10 =	sld [smem:$0x3FA4];
	_ =	sdelay $0x3  }
0x33: {  	p0 =	seq.s32 s10, $0x1;
	s10 =	sld [smem:$0x3FA6];
	_ =	sdelay $0x3  }
0x34: {  	[smem:$0x3FA6] =	sst s10  }
0x35: {  	s10 =	sld [smem:$0x3FA5];
	_ =	sdelay $0x3  }
0x36: {  	p1 =	seq.s32 s10, $0x1;
	s10 =	sld [smem:$0x3FA6];
	_ =	sdelay $0x3  }
0x37: {  	[smem:$0x3FA6] =	sst s10  }
0x38: {  	s10 =	sld [smem:$0x3FA7]  }
0x39: {  	_ = 	snop;
	(pc) =	sbr.ind lr, $3  }
0x3a: {  	_ = 	snop  }
0x3b: {  	_ = 	snop  }
0x3c: {  	p2 =	seq.s32 s10, $0x1;
	s10 =	sld [smem:$0x3FA6]  }
0x3d: {  	_ =	shalt  }
0x3e: {  	_ =	shalt  }
0x3f: {  	_ =	shalt  }
0x40: {  	_ =	shalt  }
0x41: {  	_ =	shalt  }
0x42: {  	_ =	shalt  }
0x43: {  	_ =	shalt  }
0x44: {  	_ =	shalt  }
0x45: {  	_ =	shalt  }
0x46: {  	_ =	shalt  }
0x47: {  	_ =	shalt  }
0x48: {  	_ =	shalt  }
0x49: {  	_ =	shalt  }
0x4a: {  	_ =	shalt  }
0x4b: {  	_ =	shalt  }
0x4c: {  	_ =	shalt  }
0x4d: {  	_ =	shalt  }
0x4e: {  	_ =	shalt  }
0x4f: {  	_ =	shalt  }
0x50: {  	_ =	shalt  }
0x51: {  	_ =	shalt  }
0x52: {  	_ =	shalt  }
0x53: {  	_ =	shalt  }
0x54: {  	_ =	shalt  }
0x55: {  	_ =	shalt  }
0x56: {  	_ =	shalt  }
0x57: {  	_ =	shalt  }
0x58: {  	_ =	shalt  }
0x59: {  	_ =	shalt  }
0x5a: {  	_ =	shalt  }
0x5b: {  	_ =	shalt  }
0x5c: {  	_ =	shalt  }
0x5d: {  	_ =	shalt  }
0x5e: {  	_ =	shalt  }
0x5f: {  	_ =	shalt  }
0x60: {  	_ =	shalt  }
0x61: {  	_ =	shalt  }
0x62: {  	_ =	shalt  }
0x63: {  	_ =	shalt  }
0x64: {  	_ =	shalt  }
0x65: {  	_ =	shalt  }
0x66: {  	_ =	shalt  }
0x67: {  	_ =	shalt  }
0x68: {  	_ =	shalt  }
0x69: {  	_ =	shalt  }
0x6a: {  	_ =	shalt  }
0x6b: {  	_ =	shalt  }
0x6c: {  	_ =	shalt  }
0x6d: {  	_ =	shalt  }
0x6e: {  	_ =	shalt  }
0x6f: {  	_ =	shalt  }
0x70: {  	_ =	shalt  }
0x71: {  	_ =	shalt  }
0x72: {  	_ =	shalt  }
0x73: {  	_ =	shalt  }
0x74: {  	_ =	shalt  }
0x75: {  	_ =	shalt  }
0x76: {  	_ =	shalt  }
0x77: {  	_ =	shalt  }
0x78: {  	_ =	shalt  }
0x79: {  	_ =	shalt  }
0x7a: {  	_ =	shalt  }
0x7b: {  	_ =	shalt  }
0x7c: {  	_ =	shalt  }
0x7d: {  	_ =	shalt  }
0x7e: {  	_ =	shalt  }
0x7f: {  	_ =	shalt  }
0x80: {  	_ =	shalt  }
0x81: {  	_ =	shalt  }
0x82: {  	_ =	shalt  }
0x83: {  	_ =	shalt  }
0x84: {  	_ =	shalt  }
0x85: {  	_ =	shalt  }
0x86: {  	_ =	shalt  }
0x87: {  	_ =	shalt  }
.Lfunc_end0:
.L_simem_size_0:
called_computation.1_lowered:
.L_overlay_start_0:
0x88: {  	s2 =	sld [smem:$0x3FD9]  }
0x89: {  	s3 =	sld [smem:$0x3FFE];
	_ =	sdelay $0x1  }
0x8a: {  	s1 =	srdreg.scid  }
0x8b: {  	s0 =	sand.u32 $0x1, s1  }
0x8c: {  	s17 =	sshll.u32 s0, $0xA;
	s2 =	sadd.s32 s3, s2  }
0x8d: {  	s2 =	sadd.s32 s2, s17  }
0x8e: {  	[smem:$0x3FB2] =	sst s2  }
0x8f: {  	_ = 	snop  }
0x90: {  	s2 =	sld [smem:$0x3FC9];
	(tm) =	ssettm $0x1  }
0x91: {  	s18 =	sld [smem:$0x3FFB];
	_ =	sdelay $0x3  }
0x92: {  	_ =	strace s18  }
0x93: {  	s3 =	sld [smem:$0x3FFC];
	_ =	sdelay $0x3  }
0x94: {  	_ =	strace s3  }
0x95: {  	s3 =	sld [smem:$0x3FFD];
	_ =	sdelay $0x3  }
0x96: {  	_ =	strace s3  }
0x97: {  	_ =	strace $0x8FFFFFFF  }
0x98: {  	s19 =	sld [smem:$0x3FDB];
	_ =	sdelay $0x1  }
0x99: {  	s4 =	simm.s32 $_scs_section_size  }
0x9a: {  	s5 =	simm.s32 $_size__tile_overlayer_lowered;
	s6 =	simm.s32 $_tile_overlayer_lowered  }
0x9b: {  	s22 =	simm.s32 $0x1BFF;
	s21 =	sshll.u32 s6, $0x1;
	s3 =	sadd.s32 s4, s19  }
0x9c: {  	s7 =	simm.s32 $0x0;
	s20 =	sshll.u32 s5, $0x1;
	s5 =	sadd.s32 s21, s3  }
0x9d: {  	[timem:s7], [sflag:s22] =	dma.local [hbm:s5], s20  }
0x9e: {  	_ =	swait.ge [sflag:s22], s20  }
0x9f: {  	s4 =	ssub.s32 $0x0, s20;
	[sflag:s22] =	ssyncset.done $0x0  }
0xa0: {  	[sflag:s22] =	ssyncadd.s32 s4;
	_ =	sdelay $0x1  }
0xa1: {  	s23 =	simm.s32 $0x1B8B  }
0xa2: {  	_ =	swait.ge [sflag:s23], $0x1  }
0xa3: {  	[sflag:s23] =	ssyncset.done $0x0  }
0xa4: {  	s25 =	simm.s32 $0x1B8E;
	s24 =	sld [smem:$0x3FFE];
	[sflag:s23] =	ssyncadd.s32 $0xFFFFFFFF  }
0xa5: {  	s26 =	simm.s32 $execute0_lowered;
	[smem:$0x3FD2] =	sst s25  }
0xa6: {  	s5 =	sshll.u32 s26, $0x1;
	_ =	strace $0x80000046;
	[dreg:$0x1] =	wrdreg $0xFFFFFFFF  }
0xa7: {  	s28 =	simm.s32 $_size_execute0_lowered;
	s3 =	sadd.s32 s3, s5;
	[dreg:$0x0] =	wrdreg $0x0  }
0xa8: {  	s5 =	sshll.u32 s28, $0x1;
	[dreg:$0x2] =	wrdreg s3  }
0xa9: {  	[dreg:$0x3] =	wrdreg s5  }
0xaa: {  	[dreg:$0x4] =	wrdreg $0xC0  }
0xab: {  	_ =	task [dreg:s7], $0x5FFFF  }
0xac: {  	[dreg:$0x1] =	wrdreg $0xFFFFFFFF  }
0xad: {  	[dreg:$0x0] =	wrdreg $0x60  }
0xae: {  	[dreg:$0x2] =	wrdreg s2  }
0xaf: {  	[dreg:$0x3] =	wrdreg s24  }
0xb0: {  	[dreg:$0x4] =	wrdreg $0xA  }
0xb1: {  	_ =	task.clear_ibuf [dreg:s7], $0x5FFFF;
	_ =	strace $0x90000046  }
0xb2: {  	s29 =	simm.s32 $0xA;
	_ =	strace $0x80000048  }
0xb3: {  	_ =	swait.ge [sflag:s29], $0x1  }
0xb4: {  	[sflag:s29] =	ssyncadd.s32 $0xFFFFFFFF  }
0xb5: {  	_ =	strace $0x90000048  }
0xb6: {  	_ =	sfence  }
0xb7: {  	s30 =	sld [smem:$0x0];
	_ =	sdelay $0x2  }
0xb8: {  	s31 =	sshll.u32 s1, $0xD;
	s1 =	sshrl.u32 s1, $0x2  }
0xb9: {  	s3 =	sand.u32 $0x4000, s31;
	s1 =	sadd.s32 s1, s30  }
0xba: {  	s0 =	sor.u32 s3, s0;
	s1 =	sshll.u32 s1, $0x11  }
0xbb: {  	s0 =	sor.u32 s1, s0  }
0xbc: {  	s0 =	sadd.s32 $0x8F2B, s0  }
0xbd: {  	[sflag:s0] =	ssyncadd.remote.s32 $0x1  }
0xbe: {  	_ =	sfence.sel $0xFFFF  }
0xbf: {  	[dreg:$0x0] =	wrdreg $0xFFFFFFFF;
	(pc) =	sbr.abs _section_cstart, $3  }
0xc0: {  	[dreg:$0x1] =	wrdreg $0xFFFFFFFF  }
0xc1: {  	_ =	task.clear_ibuf [dreg:s7], $0x2FFFF;
	_ =	strace $0x9FFFFFFF  }
0xc2: {  	(tm) =	ssettm $0x7FFFFFFF  }
0xc3: {  	_ =	shalt  }
tec
execute0_lowered:
.L_overlay_start_1:
0x0: {  	(tag) =	ssettag $0x1  }
0x1: {  	s0 =	rddreg [dreg:$0x0]  }
0x2: {  	s1 =	rddreg [dreg:$0x1]  }
0x3: {  	s2 =	simm.s32 $0x0;
	s7 =	stileid.u32;
	s4 =	srdreg.scid  }
0x4: {  	[smem:$0x7FF] =	sst s2;
	s24 =	sshll.u32 s7, $0xE;
	s3 =	sadd.s32 $0x2200, s1  }
0x5: {  	s25 =	sand.u32 $0x1, s4;
	s5 =	sshll.u32 s7, $0xA;
	_ =	strace $0x80000047  }
0x6: {  	s1 =	sadd.s32 s24, s1;
	s6 =	sshll.u32 s25, $0x9;
	s2 =	sshll.u32 s25, $0xD  }
0x7: {  	s4 =	ssub.s32 $0x2, s25;
	s5 =	sor.u32 s6, s5;
	s1 =	sadd.s32 s2, s1  }
0x8: {  	s26 =	sshrl.u32 s4, $0x1;
	s28 =	sshrl.u32 s5, $0x3;
	s30 =	sadd.s32 $0xF44600, s1  }
0x9: {  	s6 =	ssub.s32 s4, s26;
	s0 =	sadd.s32 s0, s28;
	[dreg:$0x3] =	wrdreg s30  }
0xa: {  	s31 =	sshll.u32 s7, $0x6;
	s29 =	smax.u32 s6, $0x1;
	[dreg:$0xb] =	wrdreg s0  }
0xb: {  	s7 =	sor.u32 $0x1C01, s31;
	s2 =	simm.s32 $0x0;
	[dreg:$0xc] =	wrdreg s29  }
.LBB2_1:
0xc: {  	[dreg:$0xd] =	wrdreg s2  }
0xd: {  	s0 =	simm.s32 $0x0;
	s1 =	rddreg [dreg:$0xb];
	s5 =	simm.s32 $0x2  }
0xe: {  	[tilespmem:s0], [sflag:$0x2] =	stream.linear.gather [hbm4b:s1+s0], $0x200, $0x38;
	[tilespmem:$0x200] =	vst v63  }
0xf: {  	_ =	swait.ge [sflag:s5], $0x200  }
0x10: {  	[sflag:s5] =	ssyncset.done $0x0  }
0x11: {  	[sflag:s5] =	ssyncadd.s32 $0xFFFFFE00  }
0x12: {  	v0 =	vld [tilespmem:s0+$0x0];
	_ =	sdelay $0x4  }
0x13: {  	v0 =	vshll.u32 v0, $0x4  }
0x14: {  	(v2sf) =	vpush v0, $0x0  }
0x15: {  	(v2sf) =	vpush v0, $0x1  }
0x16: {  	(v2sf) =	vpush v0, $0x2  }
0x17: {  	(v2sf) =	vpush v0, $0x3  }
0x18: {  	(v2sf) =	vpush v0, $0x4  }
0x19: {  	(v2sf) =	vpush v0, $0x5  }
0x1a: {  	(v2sf) =	vpush v0, $0x6  }
0x1b: {  	(v2sf) =	vpush v0, $0x7  }
0x1c: {  	(v2sf) =	vpush v0, $0x8  }
0x1d: {  	(v2sf) =	vpush v0, $0x9  }
0x1e: {  	(v2sf) =	vpush v0, $0xA  }
0x1f: {  	(v2sf) =	vpush v0, $0xB  }
0x20: {  	(v2sf) =	vpush v0, $0xC  }
0x21: {  	(v2sf) =	vpush v0, $0xD  }
0x22: {  	s29 =	simm.s32 $0x100;
	(v2sf) =	vpush v0, $0xE  }
0x23: {  	s12 =	simm.s32 $0x200;
	s11 =	simm.s32 $0x10;
	s6 =	spop (v2sf);
	(v2sf) =	vpush v0, $0xF  }
0x24: {  	s1 =	rddreg [dreg:$0x3];
	s0 =	sand.u32 $0x1FFFFFF0, s6;
	s8 =	spop (v2sf)  }
0x25: {  	s5 =	sadd.s32 s3, s0;
	s9 =	sand.u32 $0x1FFFFFF0, s8;
	s10 =	spop (v2sf)  }
0x26: {  	s0 =	sadd.s32 $0x0, s1;
	s6 =	sadd.s32 s3, s9;
	s14 =	spop (v2sf)  }
0x27: {  	s13 =	sand.u32 $0x1FFFFFF0, s10;
	s31 =	sadd.s32 $0xE0, s0;
	s16 =	spop (v2sf)  }
0x28: {  	s8 =	sadd.s32 s3, s13;
	s15 =	sand.u32 $0x1FFFFFF0, s14;
	s18 =	spop (v2sf)  }
0x29: {  	s9 =	sadd.s32 s3, s15;
	s17 =	sand.u32 $0x1FFFFFF0, s16;
	s20 =	spop (v2sf)  }
0x2a: {  	s10 =	sadd.s32 s3, s17;
	s19 =	sand.u32 $0x1FFFFFF0, s18;
	s22 =	spop (v2sf)  }
0x2b: {  	s24 =	sadd.s32 s3, s19;
	s21 =	sand.u32 $0x1FFFFFF0, s20;
	s25 =	spop (v2sf)  }
0x2c: {  	s14 =	sadd.s32 s3, s21;
	s23 =	sand.u32 $0x1FFFFFF0, s22;
	s28 =	spop (v2sf)  }
0x2d: {  	s15 =	sadd.s32 s3, s23;
	s26 =	sand.u32 $0x1FFFFFF0, s25;
	s13 =	spop (v2sf)  }
0x2e: {  	s16 =	sadd.s32 s3, s26;
	s4 =	sand.u32 $0x1FFFFFF0, s28;
	s19 =	spop (v2sf)  }
0x2f: {  	s17 =	sadd.s32 s3, s4;
	s18 =	sand.u32 $0x1FFFFFF0, s13;
	s21 =	spop (v2sf)  }
0x30: {  	s18 =	sadd.s32 s3, s18;
	s20 =	sand.u32 $0x1FFFFFF0, s19;
	s23 =	spop (v2sf)  }
0x31: {  	s19 =	sadd.s32 s3, s20;
	s22 =	sand.u32 $0x1FFFFFF0, s21;
	s26 =	spop (v2sf)  }
0x32: {  	s20 =	sadd.s32 s3, s22;
	s25 =	sand.u32 $0x1FFFFFF0, s23;
	s4 =	spop (v2sf)  }
0x33: {  	s21 =	sadd.s32 s3, s25;
	s2 =	sand.u32 $0x1FFFFFF0, s26;
	s28 =	sand.u32 $0x1FFFFFF0, s4  }
0x34: {  	s22 =	sadd.s32 s3, s2;
	s2 =	sadd.s32 $0x10, s0;
	s30 =	sadd.s32 s3, s28  }
.LBB2_2:
0x35: {  	[dreg:$0xa] =	wrdreg s19  }
0x36: {  	[dreg:$0x9] =	wrdreg s20  }
0x37: {  	[dreg:$0x8] =	wrdreg s18;
	v0 =	vld [tilespmem:s11+$0x0]  }
0x38: {  	[dreg:$0x7] =	wrdreg s21  }
0x39: {  	[dreg:$0x6] =	wrdreg s22;
	s1 =	sadd.s32 $0xF0, s0  }
0x3a: {  	s23 =	smov.u32 s29;
	[dreg:$0x5] =	wrdreg s1  }
0x3b: {  	[dreg:$0x4] =	wrdreg s23  }
0x3c: {  	[hbm:s0], [sflag:s7] =	dma.local [hbm:s5], $0x10;
	v0 =	vshll.u32 v0, $0x4  }
0x3d: {  	(v2sf) =	vpush v0, $0x0  }
0x3e: {  	[hbm:s2], [sflag:s7] =	dma.local [hbm:s6], $0x10  }
0x3f: {  	s19 =	sadd.s32 $0x20, s0;
	(v2sf) =	vpush v0, $0x1  }
0x40: {  	[hbm:s19], [sflag:s7] =	dma.local [hbm:s8], $0x10  }
0x41: {  	s4 =	sadd.s32 $0x30, s0;
	(v2sf) =	vpush v0, $0x2  }
0x42: {  	[hbm:s4], [sflag:s7] =	dma.local [hbm:s9], $0x10  }
0x43: {  	s18 =	sadd.s32 $0x40, s0;
	(v2sf) =	vpush v0, $0x3  }
0x44: {  	[hbm:s18], [sflag:s7] =	dma.local [hbm:s10], $0x10  }
0x45: {  	s13 =	sadd.s32 $0x50, s0;
	(v2sf) =	vpush v0, $0x4  }
0x46: {  	[hbm:s13], [sflag:s7] =	dma.local [hbm:s24], $0x10  }
0x47: {  	s22 =	sadd.s32 $0x60, s0;
	(v2sf) =	vpush v0, $0x5  }
0x48: {  	[hbm:s22], [sflag:s7] =	dma.local [hbm:s14], $0x10  }
0x49: {  	s20 =	sadd.s32 $0x70, s0;
	(v2sf) =	vpush v0, $0x6  }
0x4a: {  	[hbm:s20], [sflag:s7] =	dma.local [hbm:s15], $0x10  }
0x4b: {  	s25 =	sadd.s32 $0x80, s0;
	(v2sf) =	vpush v0, $0x7  }
0x4c: {  	[hbm:s25], [sflag:s7] =	dma.local [hbm:s16], $0x10  }
0x4d: {  	s28 =	sadd.s32 $0x90, s0;
	(v2sf) =	vpush v0, $0x8  }
0x4e: {  	[hbm:s28], [sflag:s7] =	dma.local [hbm:s17], $0x10  }
0x4f: {  	s21 =	sadd.s32 $0xB0, s0;
	s23 =	sadd.s32 $0xA0, s0;
	(v2sf) =	vpush v0, $0x9;
	s24 =	rddreg [dreg:$0x8]  }
0x50: {  	[hbm:s23], [sflag:s7] =	dma.local [hbm:s24], $0x10  }
0x51: {  	s26 =	sadd.s32 $0xD0, s0;
	s1 =	sadd.s32 $0xC0, s0;
	(v2sf) =	vpush v0, $0xA;
	s0 =	rddreg [dreg:$0xa]  }
0x52: {  	[hbm:s21], [sflag:s7] =	dma.local [hbm:s0], $0x10  }
0x53: {  	(v2sf) =	vpush v0, $0xB;
	s0 =	rddreg [dreg:$0x9]  }
0x54: {  	[hbm:s1], [sflag:s7] =	dma.local [hbm:s0], $0x10  }
0x55: {  	(v2sf) =	vpush v0, $0xC;
	s0 =	rddreg [dreg:$0x7]  }
0x56: {  	[hbm:s26], [sflag:s7] =	dma.local [hbm:s0], $0x10  }
0x57: {  	(v2sf) =	vpush v0, $0xD;
	s0 =	rddreg [dreg:$0x6]  }
0x58: {  	[hbm:s31], [sflag:s7] =	dma.local [hbm:s0], $0x10  }
0x59: {  	s29 =	smov.u32 s12;
	(v2sf) =	vpush v0, $0xE;
	s0 =	rddreg [dreg:$0x5]  }
0x5a: {  	[hbm:s0], [sflag:s7] =	dma.local [hbm:s30], $0x10  }
0x5b: {  	p0 =	sne.s32 s12, $0x1F00;
	s12 =	sadd.s32 $0x100, s12;
	s0 =	spop (v2sf)  }
0x5c: {  	s11 =	sadd.s32 $0x10, s11;
	(v2sf) =	vpush v0, $0xF;
	s0 =	sand.u32 $0x1FFFFFF0, s0;
	s25 =	spop (v2sf)  }
0x5d: {  	s1 =	rddreg [dreg:$0x3];
	s5 =	sadd.s32 s3, s0;
	s28 =	spop (v2sf)  }
0x5e: {  	s26 =	sand.u32 $0x1FFFFFF0, s25;
	s2 =	sand.u32 $0x1FFFFFF0, s28;
	s4 =	spop (v2sf)  }
0x5f: {  	s6 =	sadd.s32 s3, s26;
	s8 =	sadd.s32 s3, s2;
	s10 =	spop (v2sf)  }
0x60: {  	s9 =	sand.u32 $0x1FFFFFF0, s4;
	s13 =	sand.u32 $0x1FFFFFF0, s10;
	s14 =	spop (v2sf)  }
0x61: {  	s9 =	sadd.s32 s3, s9;
	s10 =	sadd.s32 s3, s13;
	s16 =	spop (v2sf)  }
0x62: {  	s15 =	sand.u32 $0x1FFFFFF0, s14;
	s17 =	sand.u32 $0x1FFFFFF0, s16;
	s18 =	spop (v2sf)  }
0x63: {  	s24 =	sadd.s32 s3, s15;
	s14 =	sadd.s32 s3, s17;
	s20 =	spop (v2sf)  }
0x64: {  	s19 =	sand.u32 $0x1FFFFFF0, s18;
	s21 =	sand.u32 $0x1FFFFFF0, s20;
	s22 =	spop (v2sf)  }
0x65: {  	s15 =	sadd.s32 s3, s19;
	s16 =	sadd.s32 s3, s21;
	s25 =	spop (v2sf)  }
0x66: {  	s23 =	sand.u32 $0x1FFFFFF0, s22;
	s26 =	sand.u32 $0x1FFFFFF0, s25;
	s28 =	spop (v2sf)  }
0x67: {  	s17 =	sadd.s32 s3, s23;
	s18 =	sadd.s32 s3, s26;
	s4 =	sand.u32 $0x1FFFFFF0, s28  }
0x68: {  	s13 =	spop (v2sf);
	s26 =	rddreg [dreg:$0x4];
	s19 =	sadd.s32 s3, s4  }
.Ltmp0:
0x69: {  	s20 =	sand.u32 $0x1FFFFFF0, s13;
	s21 =	spop (v2sf);
	(pc) =	sbr.rel @p0 .LBB2_2-.Ltmp0, $4  }
0x6a: {  	s0 =	sadd.s32 s26, s1;
	s20 =	sadd.s32 s3, s20;
	s23 =	spop (v2sf)  }
0x6b: {  	s22 =	sand.u32 $0x1FFFFFF0, s21;
	s31 =	sadd.s32 $0xE0, s0;
	s25 =	spop (v2sf)  }
0x6c: {  	s21 =	sadd.s32 s3, s22;
	s2 =	sand.u32 $0x1FFFFFF0, s23;
	s28 =	sand.u32 $0x1FFFFFF0, s25  }
0x6d: {  	s22 =	sadd.s32 s3, s2;
	s2 =	sadd.s32 $0x10, s0;
	s30 =	sadd.s32 s3, s28  }
0x6e: {  	v0 =	vld [tilespmem:s11+$0x0];
	_ =	sdelay $0x4  }
0x6f: {  	[hbm:s0], [sflag:s7] =	dma.local [hbm:s5], $0x10;
	v0 =	vshll.u32 v0, $0x4  }
0x70: {  	(v2sf) =	vpush v0, $0x0  }
0x71: {  	[hbm:s2], [sflag:s7] =	dma.local [hbm:s6], $0x10  }
0x72: {  	s1 =	sadd.s32 $0x20, s0;
	(v2sf) =	vpush v0, $0x1  }
0x73: {  	[hbm:s1], [sflag:s7] =	dma.local [hbm:s8], $0x10  }
0x74: {  	s8 =	sadd.s32 $0x30, s0;
	(v2sf) =	vpush v0, $0x2  }
0x75: {  	[hbm:s8], [sflag:s7] =	dma.local [hbm:s9], $0x10  }
0x76: {  	s11 =	sadd.s32 $0x40, s0;
	(v2sf) =	vpush v0, $0x3  }
0x77: {  	[hbm:s11], [sflag:s7] =	dma.local [hbm:s10], $0x10  }
0x78: {  	s12 =	sadd.s32 $0x50, s0;
	(v2sf) =	vpush v0, $0x4  }
0x79: {  	[hbm:s12], [sflag:s7] =	dma.local [hbm:s24], $0x10  }
0x7a: {  	s13 =	sadd.s32 $0x60, s0;
	(v2sf) =	vpush v0, $0x5  }
0x7b: {  	[hbm:s13], [sflag:s7] =	dma.local [hbm:s14], $0x10  }
0x7c: {  	s14 =	sadd.s32 $0x70, s0;
	(v2sf) =	vpush v0, $0x6  }
0x7d: {  	[hbm:s14], [sflag:s7] =	dma.local [hbm:s15], $0x10  }
0x7e: {  	s15 =	sadd.s32 $0x80, s0;
	(v2sf) =	vpush v0, $0x7  }
0x7f: {  	[hbm:s15], [sflag:s7] =	dma.local [hbm:s16], $0x10  }
0x80: {  	s23 =	sadd.s32 $0x90, s0;
	(v2sf) =	vpush v0, $0x8  }
0x81: {  	[hbm:s23], [sflag:s7] =	dma.local [hbm:s17], $0x10  }
0x82: {  	s24 =	sadd.s32 $0xA0, s0;
	(v2sf) =	vpush v0, $0x9  }
0x83: {  	[hbm:s24], [sflag:s7] =	dma.local [hbm:s18], $0x10  }
0x84: {  	s25 =	sadd.s32 $0xB0, s0;
	(v2sf) =	vpush v0, $0xA  }
0x85: {  	[hbm:s25], [sflag:s7] =	dma.local [hbm:s19], $0x10  }
0x86: {  	s26 =	sadd.s32 $0xC0, s0;
	(v2sf) =	vpush v0, $0xB  }
0x87: {  	[hbm:s26], [sflag:s7] =	dma.local [hbm:s20], $0x10  }
0x88: {  	s28 =	sadd.s32 $0xD0, s0;
	(v2sf) =	vpush v0, $0xC  }
0x89: {  	[hbm:s28], [sflag:s7] =	dma.local [hbm:s21], $0x10  }
0x8a: {  	(v2sf) =	vpush v0, $0xD  }
0x8b: {  	[hbm:s31], [sflag:s7] =	dma.local [hbm:s22], $0x10  }
0x8c: {  	s1 =	sadd.s32 $0xF0, s0;
	(v2sf) =	vpush v0, $0xE  }
0x8d: {  	[hbm:s1], [sflag:s7] =	dma.local [hbm:s30], $0x10  }
0x8e: {  	s0 =	spop (v2sf);
	(v2sf) =	vpush v0, $0xF  }
0x8f: {  	s2 =	spop (v2sf)  }
0x90: {  	s5 =	spop (v2sf)  }
0x91: {  	s4 =	spop (v2sf)  }
0x92: {  	s6 =	spop (v2sf)  }
0x93: {  	s8 =	spop (v2sf)  }
0x94: {  	s9 =	spop (v2sf)  }
0x95: {  	s10 =	spop (v2sf)  }
0x96: {  	s11 =	spop (v2sf)  }
0x97: {  	s15 =	spop (v2sf)  }
0x98: {  	s12 =	spop (v2sf)  }
0x99: {  	s13 =	spop (v2sf)  }
0x9a: {  	s19 =	rddreg [dreg:$0x3];
	s0 =	sand.u32 $0x1FFFFFF0, s0;
	s20 =	spop (v2sf)  }
0x9b: {  	s14 =	sadd.s32 s29, s19;
	s0 =	sadd.s32 s3, s0;
	s16 =	spop (v2sf)  }
0x9c: {  	s1 =	sand.u32 $0x1FFFFFF0, s2;
	s22 =	sadd.s32 $0x10, s14;
	s17 =	spop (v2sf)  }
0x9d: {  	s24 =	sadd.s32 $0x20, s14;
	s23 =	sand.u32 $0x1FFFFFF0, s5;
	s18 =	spop (v2sf)  }
0x9e: {  	[hbm:s14], [sflag:s7] =	dma.local [hbm:s0], $0x10  }
0x9f: {  	s21 =	sadd.s32 s3, s1;
	s25 =	sand.u32 $0x1FFFFFF0, s4;
	s0 =	sadd.s32 s3, s23  }
0xa0: {  	[hbm:s22], [sflag:s7] =	dma.local [hbm:s21], $0x10  }
0xa1: {  	[hbm:s24], [sflag:s7] =	dma.local [hbm:s0], $0x10  }
0xa2: {  	s26 =	sadd.s32 $0x30, s14;
	s28 =	sand.u32 $0x1FFFFFF0, s6;
	s0 =	sadd.s32 s3, s25  }
0xa3: {  	[hbm:s26], [sflag:s7] =	dma.local [hbm:s0], $0x10  }
0xa4: {  	s29 =	sadd.s32 $0x40, s14;
	s30 =	sand.u32 $0x1FFFFFF0, s8;
	s0 =	sadd.s32 s3, s28  }
0xa5: {  	[hbm:s29], [sflag:s7] =	dma.local [hbm:s0], $0x10  }
0xa6: {  	s31 =	sadd.s32 $0x50, s14;
	s1 =	sand.u32 $0x1FFFFFF0, s9;
	s0 =	sadd.s32 s3, s30  }
0xa7: {  	[hbm:s31], [sflag:s7] =	dma.local [hbm:s0], $0x10  }
0xa8: {  	s2 =	sadd.s32 $0x60, s14;
	s4 =	sand.u32 $0x1FFFFFF0, s10;
	s0 =	sadd.s32 s3, s1  }
0xa9: {  	[hbm:s2], [sflag:s7] =	dma.local [hbm:s0], $0x10  }
0xaa: {  	s5 =	sadd.s32 $0x70, s14;
	s6 =	sand.u32 $0x1FFFFFF0, s11;
	s0 =	sadd.s32 s3, s4  }
0xab: {  	[hbm:s5], [sflag:s7] =	dma.local [hbm:s0], $0x10  }
0xac: {  	s8 =	sadd.s32 $0x80, s14;
	s9 =	sand.u32 $0x1FFFFFF0, s15;
	s0 =	sadd.s32 s3, s6  }
0xad: {  	[hbm:s8], [sflag:s7] =	dma.local [hbm:s0], $0x10  }
0xae: {  	s10 =	sadd.s32 $0x90, s14;
	s11 =	sand.u32 $0x1FFFFFF0, s12;
	s0 =	sadd.s32 s3, s9  }
0xaf: {  	[hbm:s10], [sflag:s7] =	dma.local [hbm:s0], $0x10  }
0xb0: {  	s12 =	sadd.s32 $0xA0, s14;
	s13 =	sand.u32 $0x1FFFFFF0, s13;
	s0 =	sadd.s32 s3, s11  }
0xb1: {  	[hbm:s12], [sflag:s7] =	dma.local [hbm:s0], $0x10  }
0xb2: {  	s19 =	sadd.s32 $0xB0, s14;
	s20 =	sand.u32 $0x1FFFFFF0, s20;
	s0 =	sadd.s32 s3, s13  }
0xb3: {  	[hbm:s19], [sflag:s7] =	dma.local [hbm:s0], $0x10  }
0xb4: {  	s21 =	sadd.s32 $0xC0, s14;
	s22 =	sand.u32 $0x1FFFFFF0, s16;
	s0 =	sadd.s32 s3, s20  }
0xb5: {  	[hbm:s21], [sflag:s7] =	dma.local [hbm:s0], $0x10  }
0xb6: {  	s23 =	sadd.s32 $0xD0, s14;
	s24 =	sand.u32 $0x1FFFFFF0, s17;
	s0 =	sadd.s32 s3, s22  }
0xb7: {  	[hbm:s23], [sflag:s7] =	dma.local [hbm:s0], $0x10  }
0xb8: {  	s25 =	sadd.s32 $0xE0, s14;
	s26 =	sand.u32 $0x1FFFFFF0, s18;
	s0 =	sadd.s32 s3, s24  }
0xb9: {  	[hbm:s25], [sflag:s7] =	dma.local [hbm:s0], $0x10  }
0xba: {  	s28 =	sadd.s32 $0xF0, s14;
	s29 =	simm.s32 $0x1;
	s0 =	sadd.s32 s3, s26  }
0xbb: {  	[hbm:s28], [sflag:s7] =	dma.local [hbm:s0], $0x10  }
0xbc: {  	_ =	swait.ge [sflag:s29], $0x2000  }
0xbd: {  	s30 =	rddreg [dreg:$0xd]  }
0xbe: {  	s31 =	rddreg [dreg:$0xc];
	s2 =	sadd.s32 $0x1, s30  }
0xbf: {  	p0 =	sne.s32 s2, s31  }
.Ltmp1:
0xc0: {  	_ = 	snop;
	(pc) =	sbr.rel @p0 .LBB2_1-.Ltmp1, $3  }
0xc1: {  	_ =	sdelay $0x1  }
0xc2: {  	[sflag:s29] =	ssyncset.done $0x0  }
0xc3: {  	[sflag:s29] =	ssyncadd.s32 $0xFFFFE000  }
0xc4: {  	_ =	sfence.sel $0x180000  }
0xc5: {  	[bflag:$0x0] =	sbarrier.arrive $0xFFFF  }
0xc6: {  	_ =	strace $0x90000047  }
0xc7: {  	s0 =	stileid.u32;
	[bflag:$0x2] =	sbarrier.arrive $0xFFFF  }
0xc8: {  	p0 =	sne.s32 s0, $0x0;
	s0 =	rddreg [dreg:$0x2]  }
0xc9: {  	s0 =	sadd.s32 @!p0 $0x100000, s0  }
0xca: {  	[sflag:s0] =	ssyncadd.tile.s32 @!p0 $0x1;
	_ =	shalt  }
.Lfunc_end2:
_tile_overlayer_lowered:
.L_overlay_start_2:
0xcb: {  	(tag) =	ssettag $0x2  }
0xcc: {  	s0 =	rddreg [dreg:$0x0];
	s2 =	stileid.u32  }
0xcd: {  	s1 =	rddreg [dreg:$0x1];
	p0 =	sne.s32 s2, $0x0  }
0xce: {  	s3 =	rddreg [dreg:$0x2];
	[bflag:$0x3] =	sbarrier.arrive $0xFFFF;
	s2 =	simm.s32 @!p0 $0x1C02  }
0xcf: {  	[timem:s3], [sflag:s2] =	dma.local @!p0 [hbm:s0], s1  }
0xd0: {  	s0 =	simm.s32 @!p0 $0x2  }
0xd1: {  	_ =	swait.ge @!p0 [sflag:s0], s1  }
0xd2: {  	s1 =	ssub.s32 @!p0 $0x0, s1;
	[sflag:s0] =	ssyncset.done @!p0 $0x0  }
0xd3: {  	[sflag:s0] =	ssyncadd.s32 @!p0 s1  }
0xd4: {  	[bflag:$0x3] =	sbarrier.arrive $0xFFFF  }
0xd5: {  	_ =	shalt  }

</sc_bundles>
